<compile_context>
chip_gen: v7x
topology: tpu7x:2x2x1
jax: 0.10.2.dev20260603
libtpu: 0.0.44.dev20260713+nightly
codegen_flags: <defaults>
</compile_context>

<pallas_src>
import functools

import jax
import jax.numpy as jnp
from jax import lax
from jax.experimental import pallas as pl
from jax.experimental.pallas import tpu as pltpu
from jax.experimental.pallas import tpu_sc as plsc

_NC = 2
_NS = 16
_NW = _NC * _NS
_L = 16
_KC = 3200
_NBUF = 4


def _sqrt_body(x_ref, o_ref):
    o_ref[...] = jnp.sqrt(x_ref[...])


def _sqrt_tc(x):
    return pl.pallas_call(
        _sqrt_body,
        out_shape=jax.ShapeDtypeStruct(x.shape, x.dtype),
    )(x)


def _convert_sc(s_flat, idx2, n_batch, n_atom):
    n_int = idx2.shape[1]
    rpw = n_batch // _NW
    kc = _KC if n_int % (_KC * _NBUF) == 0 else _L
    n_chunks = n_int // kc

    mesh = plsc.VectorSubcoreMesh(core_axis_name="c", subcore_axis_name="s")

    @functools.partial(
        pl.kernel,
        out_type=jax.ShapeDtypeStruct((n_batch, n_int), jnp.float32),
        mesh=mesh,
        compiler_params=pltpu.CompilerParams(needs_layout_passes=False),
        scratch_types=[
            pltpu.VMEM((rpw * n_atom,), jnp.float32),
            [pltpu.VMEM((2, kc), jnp.int32) for _ in range(_NBUF)],
            [pltpu.VMEM((rpw, kc), jnp.float32) for _ in range(_NBUF)],
            [pltpu.SemaphoreType.DMA for _ in range(_NBUF)],
            [pltpu.SemaphoreType.DMA for _ in range(_NBUF)],
        ],
    )
    def conv(s_hbm, idx_hbm, out_hbm, srow, ijvs, ots, sins, souts):
        wid = lax.axis_index("s") * _NC + lax.axis_index("c")
        r0 = wid * rpw
        pltpu.sync_copy(s_hbm.at[pl.ds(r0 * n_atom, rpw * n_atom)], srow)

        for b in range(_NBUF):
            pltpu.async_copy(idx_hbm.at[:, pl.ds(b * kc, kc)], ijvs[b], sins[b])

        def compute(ijv, ot):
            @plsc.parallel_loop(0, kc, step=_L, unroll=4)
            def vbody(off):
                ivec = ijv[0, pl.ds(off, _L)]
                jvec = ijv[1, pl.ds(off, _L)]
                for r in range(rpw):
                    roff = jnp.int32(r * n_atom)
                    a = plsc.load_gather(srow, [ivec + roff])
                    b = plsc.load_gather(srow, [jvec + roff])
                    ot[r, pl.ds(off, _L)] = a * b

        def g_body(g, carry):
            for b in range(_NBUF):
                c = g * _NBUF + b
                base = c * kc
                pltpu.make_async_copy(
                    idx_hbm.at[:, pl.ds(0, kc)], ijvs[b], sins[b]
                ).wait()
                @pl.when(g > 0)
                def _wait_out():
                    pltpu.make_async_copy(
                        ots[b],
                        out_hbm.at[pl.ds(0, rpw), pl.ds(0, kc)],
                        souts[b],
                    ).wait()

                compute(ijvs[b], ots[b])
                pltpu.async_copy(
                    ots[b],
                    out_hbm.at[pl.ds(r0, rpw), pl.ds(base, kc)],
                    souts[b],
                )

                @pl.when(c + _NBUF < n_chunks)
                def _prefetch():
                    nb = base + _NBUF * kc
                    pltpu.async_copy(idx_hbm.at[:, pl.ds(nb, kc)], ijvs[b], sins[b])

            return carry

        lax.fori_loop(0, n_chunks // _NBUF, g_body, 0)

        for b in range(_NBUF):
            pltpu.make_async_copy(
                ots[b], out_hbm.at[pl.ds(0, rpw), pl.ds(0, kc)], souts[b]
            ).wait()

    return conv(s_flat, idx2)


def kernel(x, indices):
    n_batch, n_atom = x.shape
    idx = indices.astype(jnp.int32)
    s = _sqrt_tc(x)
    return _convert_sc(s.reshape(-1), idx, n_batch, n_atom)

# --- scband reference (transcript-rebuilt; emitter-appended) ---
"""Pipeline reference for scband-coefficient-convert-10402410791122 (READ-ONLY COPY).

The authoritative reference and input builder live on the scoring server;
editing this copy changes nothing except your own understanding.
"""

import jax, jax.numpy as jnp
import numpy as np


def setup_inputs(seed: int = 0) -> dict:
    key = jax.random.key(seed)
    k1, k2 = jax.random.split(key)
    x = jax.random.uniform(k1, (128, 10000), dtype=jnp.float32)
    indices = jax.random.randint(k2, (2, 320000), 0, 10000, dtype=jnp.int64 if jax.config.read('jax_enable_x64') else jnp.int32)
    return {"x": x, "indices": indices}


def reference(x, indices):
    # x: [n_batch, n_atom], indices: [2, n_interaction]
    # out: [n_batch, n_interaction] = sqrt(x[:, i] * x[:, j])
    xi = jnp.take(x, indices[0, :], axis=1)
    xj = jnp.take(x, indices[1, :], axis=1)
    return (xi * xj) ** 0.5

if __name__ == "__main__":
    import jax
    _d = setup_inputs()
    print(jax.jit(kernel)(*tuple(_d.values())))

</pallas_src>

<mosaic_0001>
#map = affine_map<(d0, d1) -> (0)>
#map1 = affine_map<(d0, d1) -> (0, 0)>
module attributes {stable_mosaic.version = 14 : i64} {
  func.func @conv(%arg0: i32, %arg1: i32, %arg2: memref<1280000xf32, #tpu.memory_space<hbm>>, %arg3: memref<2x320000xi32, #tpu.memory_space<hbm>>, %arg4: memref<128x320000xf32, #tpu.memory_space<hbm>>, %arg5: memref<40000xf32, #tpu.memory_space<vmem>>, %arg6: memref<2x3200xi32, #tpu.memory_space<vmem>>, %arg7: memref<2x3200xi32, #tpu.memory_space<vmem>>, %arg8: memref<2x3200xi32, #tpu.memory_space<vmem>>, %arg9: memref<2x3200xi32, #tpu.memory_space<vmem>>, %arg10: memref<4x3200xf32, #tpu.memory_space<vmem>>, %arg11: memref<4x3200xf32, #tpu.memory_space<vmem>>, %arg12: memref<4x3200xf32, #tpu.memory_space<vmem>>, %arg13: memref<4x3200xf32, #tpu.memory_space<vmem>>, %arg14: memref<!tpu.dma_semaphore, #tpu.memory_space<semaphore_mem>>, %arg15: memref<!tpu.dma_semaphore, #tpu.memory_space<semaphore_mem>>, %arg16: memref<!tpu.dma_semaphore, #tpu.memory_space<semaphore_mem>>, %arg17: memref<!tpu.dma_semaphore, #tpu.memory_space<semaphore_mem>>, %arg18: memref<!tpu.dma_semaphore, #tpu.memory_space<semaphore_mem>>, %arg19: memref<!tpu.dma_semaphore, #tpu.memory_space<semaphore_mem>>, %arg20: memref<!tpu.dma_semaphore, #tpu.memory_space<semaphore_mem>>, %arg21: memref<!tpu.dma_semaphore, #tpu.memory_space<semaphore_mem>>) attributes {dimension_semantics = [#tpu.dimension_semantics<core_parallel>, #tpu.dimension_semantics<subcore_parallel>], iteration_bounds = array<i64: 2, 16>, scalar_prefetch = 0 : i64, scratch_operands = 17 : i64, tpu.core_type = #tpu.core_type<sc_vector_subcore>, window_params = [{transform_indices = #map}, {transform_indices = #map1}, {transform_indices = #map1}]} {
    %mul3A = arith.constant 2 : i32
    %mul3A_0 = arith.muli %arg1, %mul3A : i32
    %add3A = arith.addi %mul3A_0, %arg0 : i32
    %mul3A_1 = arith.constant 4 : i32
    %mul3A_2 = arith.muli %add3A, %mul3A_1 : i32
    %mul3A_3 = arith.constant 10000 : i32
    %mul3A_4 = arith.muli %mul3A_2, %mul3A_3 : i32
    "tpu.region"() ({
      %run_scoped3A = tpu.sem_alloc : memref<!tpu.dma_semaphore, #tpu.memory_space<semaphore_mem>>
      %dma_start3A_56 = tpu.memref_slice %arg2[%mul3A_4] : memref<1280000xf32, #tpu.memory_space<hbm>> -> memref<40000xf32, #tpu.memory_space<hbm>>
      %dma_start3A_57 = tpu.memref_slice %arg2[%mul3A_4] : memref<1280000xf32, #tpu.memory_space<hbm>> -> memref<40000xf32, #tpu.memory_space<hbm>>
      tpu.enqueue_dma source(%dma_start3A_57 : memref<40000xf32, #tpu.memory_space<hbm>>) target(%arg5 : memref<40000xf32, #tpu.memory_space<vmem>>) target_semaphore(%run_scoped3A : memref<!tpu.dma_semaphore, #tpu.memory_space<semaphore_mem>>)
      %dma_wait3A_58 = tpu.memref_slice %arg2[%mul3A_4] : memref<1280000xf32, #tpu.memory_space<hbm>> -> memref<40000xf32, #tpu.memory_space<hbm>>
      %dma_wait3A_59 = tpu.memref_slice %arg2[%mul3A_4] : memref<1280000xf32, #tpu.memory_space<hbm>> -> memref<40000xf32, #tpu.memory_space<hbm>>
      tpu.wait_dma2 semaphore(%run_scoped3A : memref<!tpu.dma_semaphore, #tpu.memory_space<semaphore_mem>>) src(%dma_wait3A_59 : memref<40000xf32, #tpu.memory_space<hbm>>) dst(%arg5 : memref<40000xf32, #tpu.memory_space<vmem>>)
      tpu.yield
    }) : () -> ()
    %dma_start3A = arith.constant 0 : i32
    %dma_start3A_5 = arith.constant 0 : i32
    %dma_start3A_6 = tpu.memref_slice %arg3[%dma_start3A, %dma_start3A_5] : memref<2x320000xi32, #tpu.memory_space<hbm>> -> memref<2x3200xi32, #tpu.memory_space<hbm>>
    %dma_start3A_7 = arith.constant 0 : i32
    %dma_start3A_8 = arith.constant 0 : i32
    %dma_start3A_9 = tpu.memref_slice %arg3[%dma_start3A_7, %dma_start3A_8] : memref<2x320000xi32, #tpu.memory_space<hbm>> -> memref<2x3200xi32, #tpu.memory_space<hbm>>
    tpu.enqueue_dma source(%dma_start3A_9 : memref<2x3200xi32, #tpu.memory_space<hbm>>) target(%arg6 : memref<2x3200xi32, #tpu.memory_space<vmem>>) target_semaphore(%arg14 : memref<!tpu.dma_semaphore, #tpu.memory_space<semaphore_mem>>)
    %dma_start3A_10 = arith.constant 0 : i32
    %dma_start3A_11 = arith.constant 3200 : i32
    %dma_start3A_12 = tpu.memref_slice %arg3[%dma_start3A_10, %dma_start3A_11] : memref<2x320000xi32, #tpu.memory_space<hbm>> -> memref<2x3200xi32, #tpu.memory_space<hbm>>
    %dma_start3A_13 = arith.constant 0 : i32
    %dma_start3A_14 = arith.constant 3200 : i32
    %dma_start3A_15 = tpu.memref_slice %arg3[%dma_start3A_13, %dma_start3A_14] : memref<2x320000xi32, #tpu.memory_space<hbm>> -> memref<2x3200xi32, #tpu.memory_space<hbm>>
    tpu.enqueue_dma source(%dma_start3A_15 : memref<2x3200xi32, #tpu.memory_space<hbm>>) target(%arg7 : memref<2x3200xi32, #tpu.memory_space<vmem>>) target_semaphore(%arg15 : memref<!tpu.dma_semaphore, #tpu.memory_space<semaphore_mem>>)
    %dma_start3A_16 = arith.constant 0 : i32
    %dma_start3A_17 = arith.constant 6400 : i32
    %dma_start3A_18 = tpu.memref_slice %arg3[%dma_start3A_16, %dma_start3A_17] : memref<2x320000xi32, #tpu.memory_space<hbm>> -> memref<2x3200xi32, #tpu.memory_space<hbm>>
    %dma_start3A_19 = arith.constant 0 : i32
    %dma_start3A_20 = arith.constant 6400 : i32
    %dma_start3A_21 = tpu.memref_slice %arg3[%dma_start3A_19, %dma_start3A_20] : memref<2x320000xi32, #tpu.memory_space<hbm>> -> memref<2x3200xi32, #tpu.memory_space<hbm>>
    tpu.enqueue_dma source(%dma_start3A_21 : memref<2x3200xi32, #tpu.memory_space<hbm>>) target(%arg8 : memref<2x3200xi32, #tpu.memory_space<vmem>>) target_semaphore(%arg16 : memref<!tpu.dma_semaphore, #tpu.memory_space<semaphore_mem>>)
    %dma_start3A_22 = arith.constant 0 : i32
    %dma_start3A_23 = arith.constant 9600 : i32
    %dma_start3A_24 = tpu.memref_slice %arg3[%dma_start3A_22, %dma_start3A_23] : memref<2x320000xi32, #tpu.memory_space<hbm>> -> memref<2x3200xi32, #tpu.memory_space<hbm>>
    %dma_start3A_25 = arith.constant 0 : i32
    %dma_start3A_26 = arith.constant 9600 : i32
    %dma_start3A_27 = tpu.memref_slice %arg3[%dma_start3A_25, %dma_start3A_26] : memref<2x320000xi32, #tpu.memory_space<hbm>> -> memref<2x3200xi32, #tpu.memory_space<hbm>>
    tpu.enqueue_dma source(%dma_start3A_27 : memref<2x3200xi32, #tpu.memory_space<hbm>>) target(%arg9 : memref<2x3200xi32, #tpu.memory_space<vmem>>) target_semaphore(%arg17 : memref<!tpu.dma_semaphore, #tpu.memory_space<semaphore_mem>>)
    %scan3A = arith.constant 0 : i32
    %scan3A_28 = arith.constant 0 : i32
    %scan3A_29 = arith.constant 25 : i32
    %scan3A_30 = arith.addi %scan3A_28, %scan3A_29 : i32
    %scan3A_31 = arith.constant 1 : i32
    scf.for %scan3A_56 = %scan3A_28 to %scan3A_30 step %scan3A_31  : i32 {
      %mul3A_57 = arith.constant 4 : i32
      %mul3A_58 = arith.muli %scan3A_56, %mul3A_57 : i32
      %add3A_59 = arith.constant 0 : i32
      %add3A_60 = arith.addi %mul3A_58, %add3A_59 : i32
      %mul3A_61 = arith.constant 3200 : i32
      %mul3A_62 = arith.muli %add3A_60, %mul3A_61 : i32
      %dma_wait3A_63 = arith.constant 0 : i32
      %dma_wait3A_64 = arith.constant 0 : i32
      %dma_wait3A_65 = tpu.memref_slice %arg3[%dma_wait3A_63, %dma_wait3A_64] : memref<2x320000xi32, #tpu.memory_space<hbm>> -> memref<2x3200xi32, #tpu.memory_space<hbm>>
      %dma_wait3A_66 = arith.constant 0 : i32
      %dma_wait3A_67 = arith.constant 0 : i32
      %dma_wait3A_68 = tpu.memref_slice %arg3[%dma_wait3A_66, %dma_wait3A_67] : memref<2x320000xi32, #tpu.memory_space<hbm>> -> memref<2x3200xi32, #tpu.memory_space<hbm>>
      tpu.wait_dma2 semaphore(%arg14 : memref<!tpu.dma_semaphore, #tpu.memory_space<semaphore_mem>>) src(%dma_wait3A_68 : memref<2x3200xi32, #tpu.memory_space<hbm>>) dst(%arg6 : memref<2x3200xi32, #tpu.memory_space<vmem>>)
      %gt3A = arith.constant 0 : i32
      %gt3A_69 = arith.cmpi sgt, %scan3A_56, %gt3A : i32
      %convert_element_type3A = arith.extui %gt3A_69 : i1 to i32
      %cond3A = arith.constant 0 : i32
      %cond3A_70 = arith.cmpi ne, %convert_element_type3A, %cond3A : i32
      scf.if %cond3A_70 {
        %dma_wait3A_168 = arith.constant 0 : i32
        %dma_wait3A_169 = arith.constant 0 : i32
        %dma_wait3A_170 = tpu.memref_slice %arg4[%dma_wait3A_168, %dma_wait3A_169] : memref<128x320000xf32, #tpu.memory_space<hbm>> -> memref<4x3200xf32, #tpu.memory_space<hbm>>
        %dma_wait3A_171 = arith.constant 0 : i32
        %dma_wait3A_172 = arith.constant 0 : i32
        %dma_wait3A_173 = tpu.memref_slice %arg4[%dma_wait3A_171, %dma_wait3A_172] : memref<128x320000xf32, #tpu.memory_space<hbm>> -> memref<4x3200xf32, #tpu.memory_space<hbm>>
        tpu.wait_dma2 semaphore(%arg18 : memref<!tpu.dma_semaphore, #tpu.memory_space<semaphore_mem>>) src(%arg10 : memref<4x3200xf32, #tpu.memory_space<vmem>>) dst(%dma_wait3A_173 : memref<4x3200xf32, #tpu.memory_space<hbm>>)
      } else {
      }
      %parallel_loop3A = arith.constant 0 : i32
      %parallel_loop3A_71 = arith.constant 3200 : i32
      %parallel_loop3A_72 = arith.constant 16 : i32
      scf.for %parallel_loop3A_168 = %parallel_loop3A to %parallel_loop3A_71 step %parallel_loop3A_72  : i32 {
        %parallel_loop3A_169 = arith.constant 0 : i32
        %parallel_loop3A_170 = arith.index_cast %parallel_loop3A_169 : i32 to index
        %parallel_loop3A_171 = arith.index_cast %parallel_loop3A_168 : i32 to index
        %parallel_loop3A_172 = tpu.vector_load %arg6[%parallel_loop3A_170, %parallel_loop3A_171] {strides = array<i32>} : memref<2x3200xi32, #tpu.memory_space<vmem>>, vector<16xi32>,
        %parallel_loop3A_173 = arith.constant 1 : i32
        %parallel_loop3A_174 = arith.index_cast %parallel_loop3A_173 : i32 to index
        %parallel_loop3A_175 = arith.index_cast %parallel_loop3A_168 : i32 to index
        %parallel_loop3A_176 = tpu.vector_load %arg6[%parallel_loop3A_174, %parallel_loop3A_175] {strides = array<i32>} : memref<2x3200xi32, #tpu.memory_space<vmem>>, vector<16xi32>,
        %parallel_loop3A_177 = arith.constant 0 : i32
        %parallel_loop3A_178 = vector.broadcast %parallel_loop3A_177 : i32 to vector<16xi32>
        %parallel_loop3A_179 = arith.addi %parallel_loop3A_172, %parallel_loop3A_178 : vector<16xi32>
        %parallel_loop3A_180 = tpu.vector_load_idx %arg5[%parallel_loop3A_179] : memref<40000xf32, #tpu.memory_space<vmem>>[vector<16xi32>], vector<16xf32>,
        %parallel_loop3A_181 = arith.constant 0 : i32
        %parallel_loop3A_182 = vector.broadcast %parallel_loop3A_181 : i32 to vector<16xi32>
        %parallel_loop3A_183 = arith.addi %parallel_loop3A_176, %parallel_loop3A_182 : vector<16xi32>
        %parallel_loop3A_184 = tpu.vector_load_idx %arg5[%parallel_loop3A_183] : memref<40000xf32, #tpu.memory_space<vmem>>[vector<16xi32>], vector<16xf32>,
        %parallel_loop3A_185 = arith.mulf %parallel_loop3A_180, %parallel_loop3A_184 : vector<16xf32>
        %parallel_loop3A_186 = arith.constant 0 : i32
        %parallel_loop3A_187 = arith.index_cast %parallel_loop3A_186 : i32 to index
        %parallel_loop3A_188 = arith.index_cast %parallel_loop3A_168 : i32 to index
        %parallel_loop3A_189 = tpu.vector_load %arg10[%parallel_loop3A_187, %parallel_loop3A_188] {strides = array<i32>} : memref<4x3200xf32, #tpu.memory_space<vmem>>, vector<16xf32>,
        tpu.vector_store %arg10[%parallel_loop3A_187, %parallel_loop3A_188], %parallel_loop3A_185 {strides = array<i32>} : memref<4x3200xf32, #tpu.memory_space<vmem>>, vector<16xf32>,
        %parallel_loop3A_190 = arith.constant 10000 : i32
        %parallel_loop3A_191 = vector.broadcast %parallel_loop3A_190 : i32 to vector<16xi32>
        %parallel_loop3A_192 = arith.addi %parallel_loop3A_172, %parallel_loop3A_191 : vector<16xi32>
        %parallel_loop3A_193 = tpu.vector_load_idx %arg5[%parallel_loop3A_192] : memref<40000xf32, #tpu.memory_space<vmem>>[vector<16xi32>], vector<16xf32>,
        %parallel_loop3A_194 = arith.constant 10000 : i32
        %parallel_loop3A_195 = vector.broadcast %parallel_loop3A_194 : i32 to vector<16xi32>
        %parallel_loop3A_196 = arith.addi %parallel_loop3A_176, %parallel_loop3A_195 : vector<16xi32>
        %parallel_loop3A_197 = tpu.vector_load_idx %arg5[%parallel_loop3A_196] : memref<40000xf32, #tpu.memory_space<vmem>>[vector<16xi32>], vector<16xf32>,
        %parallel_loop3A_198 = arith.mulf %parallel_loop3A_193, %parallel_loop3A_197 : vector<16xf32>
        %parallel_loop3A_199 = arith.constant 1 : i32
        %parallel_loop3A_200 = arith.index_cast %parallel_loop3A_199 : i32 to index
        %parallel_loop3A_201 = arith.index_cast %parallel_loop3A_168 : i32 to index
        %parallel_loop3A_202 = tpu.vector_load %arg10[%parallel_loop3A_200, %parallel_loop3A_201] {strides = array<i32>} : memref<4x3200xf32, #tpu.memory_space<vmem>>, vector<16xf32>,
        tpu.vector_store %arg10[%parallel_loop3A_200, %parallel_loop3A_201], %parallel_loop3A_198 {strides = array<i32>} : memref<4x3200xf32, #tpu.memory_space<vmem>>, vector<16xf32>,
        %parallel_loop3A_203 = arith.constant 20000 : i32
        %parallel_loop3A_204 = vector.broadcast %parallel_loop3A_203 : i32 to vector<16xi32>
        %parallel_loop3A_205 = arith.addi %parallel_loop3A_172, %parallel_loop3A_204 : vector<16xi32>
        %parallel_loop3A_206 = tpu.vector_load_idx %arg5[%parallel_loop3A_205] : memref<40000xf32, #tpu.memory_space<vmem>>[vector<16xi32>], vector<16xf32>,
        %parallel_loop3A_207 = arith.constant 20000 : i32
        %parallel_loop3A_208 = vector.broadcast %parallel_loop3A_207 : i32 to vector<16xi32>
        %parallel_loop3A_209 = arith.addi %parallel_loop3A_176, %parallel_loop3A_208 : vector<16xi32>
        %parallel_loop3A_210 = tpu.vector_load_idx %arg5[%parallel_loop3A_209] : memref<40000xf32, #tpu.memory_space<vmem>>[vector<16xi32>], vector<16xf32>,
        %parallel_loop3A_211 = arith.mulf %parallel_loop3A_206, %parallel_loop3A_210 : vector<16xf32>
        %parallel_loop3A_212 = arith.constant 2 : i32
        %parallel_loop3A_213 = arith.index_cast %parallel_loop3A_212 : i32 to index
        %parallel_loop3A_214 = arith.index_cast %parallel_loop3A_168 : i32 to index
        %parallel_loop3A_215 = tpu.vector_load %arg10[%parallel_loop3A_213, %parallel_loop3A_214] {strides = array<i32>} : memref<4x3200xf32, #tpu.memory_space<vmem>>, vector<16xf32>,
        tpu.vector_store %arg10[%parallel_loop3A_213, %parallel_loop3A_214], %parallel_loop3A_211 {strides = array<i32>} : memref<4x3200xf32, #tpu.memory_space<vmem>>, vector<16xf32>,
        %parallel_loop3A_216 = arith.constant 30000 : i32
        %parallel_loop3A_217 = vector.broadcast %parallel_loop3A_216 : i32 to vector<16xi32>
        %parallel_loop3A_218 = arith.addi %parallel_loop3A_172, %parallel_loop3A_217 : vector<16xi32>
        %parallel_loop3A_219 = tpu.vector_load_idx %arg5[%parallel_loop3A_218] : memref<40000xf32, #tpu.memory_space<vmem>>[vector<16xi32>], vector<16xf32>,
        %parallel_loop3A_220 = arith.constant 30000 : i32
        %parallel_loop3A_221 = vector.broadcast %parallel_loop3A_220 : i32 to vector<16xi32>
        %parallel_loop3A_222 = arith.addi %parallel_loop3A_176, %parallel_loop3A_221 : vector<16xi32>
        %parallel_loop3A_223 = tpu.vector_load_idx %arg5[%parallel_loop3A_222] : memref<40000xf32, #tpu.memory_space<vmem>>[vector<16xi32>], vector<16xf32>,
        %parallel_loop3A_224 = arith.mulf %parallel_loop3A_219, %parallel_loop3A_223 : vector<16xf32>
        %parallel_loop3A_225 = arith.constant 3 : i32
        %parallel_loop3A_226 = arith.index_cast %parallel_loop3A_225 : i32 to index
        %parallel_loop3A_227 = arith.index_cast %parallel_loop3A_168 : i32 to index
        %parallel_loop3A_228 = tpu.vector_load %arg10[%parallel_loop3A_226, %parallel_loop3A_227] {strides = array<i32>} : memref<4x3200xf32, #tpu.memory_space<vmem>>, vector<16xf32>,
        tpu.vector_store %arg10[%parallel_loop3A_226, %parallel_loop3A_227], %parallel_loop3A_224 {strides = array<i32>} : memref<4x3200xf32, #tpu.memory_space<vmem>>, vector<16xf32>,
      } {sc.loop_unroll_factor = 4 : i64, sc.parallel_access}
      %dma_start3A_73 = tpu.memref_slice %arg4[%mul3A_2, %mul3A_62] : memref<128x320000xf32, #tpu.memory_space<hbm>> -> memref<4x3200xf32, #tpu.memory_space<hbm>>
      %dma_start3A_74 = tpu.memref_slice %arg4[%mul3A_2, %mul3A_62] : memref<128x320000xf32, #tpu.memory_space<hbm>> -> memref<4x3200xf32, #tpu.memory_space<hbm>>
      tpu.enqueue_dma source(%arg10 : memref<4x3200xf32, #tpu.memory_space<vmem>>) target(%dma_start3A_74 : memref<4x3200xf32, #tpu.memory_space<hbm>>) target_semaphore(%arg18 : memref<!tpu.dma_semaphore, #tpu.memory_space<semaphore_mem>>)
      %add3A_75 = arith.constant 4 : i32
      %add3A_76 = arith.addi %add3A_60, %add3A_75 : i32
      %lt3A = arith.constant 100 : i32
      %lt3A_77 = arith.cmpi slt, %add3A_76, %lt3A : i32
      %convert_element_type3A_78 = arith.extui %lt3A_77 : i1 to i32
      %cond3A_79 = arith.constant 0 : i32
      %cond3A_80 = arith.cmpi ne, %convert_element_type3A_78, %cond3A_79 : i32
      scf.if %cond3A_80 {
        %add3A_168 = arith.constant 12800 : i32
        %add3A_169 = arith.addi %mul3A_62, %add3A_168 : i32
        %dma_start3A_170 = arith.constant 0 : i32
        %dma_start3A_171 = tpu.memref_slice %arg3[%dma_start3A_170, %add3A_169] : memref<2x320000xi32, #tpu.memory_space<hbm>> -> memref<2x3200xi32, #tpu.memory_space<hbm>>
        %dma_start3A_172 = arith.constant 0 : i32
        %dma_start3A_173 = tpu.memref_slice %arg3[%dma_start3A_172, %add3A_169] : memref<2x320000xi32, #tpu.memory_space<hbm>> -> memref<2x3200xi32, #tpu.memory_space<hbm>>
        tpu.enqueue_dma source(%dma_start3A_173 : memref<2x3200xi32, #tpu.memory_space<hbm>>) target(%arg6 : memref<2x3200xi32, #tpu.memory_space<vmem>>) target_semaphore(%arg14 : memref<!tpu.dma_semaphore, #tpu.memory_space<semaphore_mem>>)
      } else {
      }
      %mul3A_81 = arith.constant 4 : i32
      %mul3A_82 = arith.muli %scan3A_56, %mul3A_81 : i32
      %add3A_83 = arith.constant 1 : i32
      %add3A_84 = arith.addi %mul3A_82, %add3A_83 : i32
      %mul3A_85 = arith.constant 3200 : i32
      %mul3A_86 = arith.muli %add3A_84, %mul3A_85 : i32
      %dma_wait3A_87 = arith.constant 0 : i32
      %dma_wait3A_88 = arith.constant 0 : i32
      %dma_wait3A_89 = tpu.memref_slice %arg3[%dma_wait3A_87, %dma_wait3A_88] : memref<2x320000xi32, #tpu.memory_space<hbm>> -> memref<2x3200xi32, #tpu.memory_space<hbm>>
      %dma_wait3A_90 = arith.constant 0 : i32
      %dma_wait3A_91 = arith.constant 0 : i32
      %dma_wait3A_92 = tpu.memref_slice %arg3[%dma_wait3A_90, %dma_wait3A_91] : memref<2x320000xi32, #tpu.memory_space<hbm>> -> memref<2x3200xi32, #tpu.memory_space<hbm>>
      tpu.wait_dma2 semaphore(%arg15 : memref<!tpu.dma_semaphore, #tpu.memory_space<semaphore_mem>>) src(%dma_wait3A_92 : memref<2x3200xi32, #tpu.memory_space<hbm>>) dst(%arg7 : memref<2x3200xi32, #tpu.memory_space<vmem>>)
      %gt3A_93 = arith.constant 0 : i32
      %gt3A_94 = arith.cmpi sgt, %scan3A_56, %gt3A_93 : i32
      %convert_element_type3A_95 = arith.extui %gt3A_94 : i1 to i32
      %cond3A_96 = arith.constant 0 : i32
      %cond3A_97 = arith.cmpi ne, %convert_element_type3A_95, %cond3A_96 : i32
      scf.if %cond3A_97 {
        %dma_wait3A_168 = arith.constant 0 : i32
        %dma_wait3A_169 = arith.constant 0 : i32
        %dma_wait3A_170 = tpu.memref_slice %arg4[%dma_wait3A_168, %dma_wait3A_169] : memref<128x320000xf32, #tpu.memory_space<hbm>> -> memref<4x3200xf32, #tpu.memory_space<hbm>>
        %dma_wait3A_171 = arith.constant 0 : i32
        %dma_wait3A_172 = arith.constant 0 : i32
        %dma_wait3A_173 = tpu.memref_slice %arg4[%dma_wait3A_171, %dma_wait3A_172] : memref<128x320000xf32, #tpu.memory_space<hbm>> -> memref<4x3200xf32, #tpu.memory_space<hbm>>
        tpu.wait_dma2 semaphore(%arg19 : memref<!tpu.dma_semaphore, #tpu.memory_space<semaphore_mem>>) src(%arg11 : memref<4x3200xf32, #tpu.memory_space<vmem>>) dst(%dma_wait3A_173 : memref<4x3200xf32, #tpu.memory_space<hbm>>)
      } else {
      }
      %parallel_loop3A_98 = arith.constant 0 : i32
      %parallel_loop3A_99 = arith.constant 3200 : i32
      %parallel_loop3A_100 = arith.constant 16 : i32
      scf.for %parallel_loop3A_168 = %parallel_loop3A_98 to %parallel_loop3A_99 step %parallel_loop3A_100  : i32 {
        %parallel_loop3A_169 = arith.constant 0 : i32
        %parallel_loop3A_170 = arith.index_cast %parallel_loop3A_169 : i32 to index
        %parallel_loop3A_171 = arith.index_cast %parallel_loop3A_168 : i32 to index
        %parallel_loop3A_172 = tpu.vector_load %arg7[%parallel_loop3A_170, %parallel_loop3A_171] {strides = array<i32>} : memref<2x3200xi32, #tpu.memory_space<vmem>>, vector<16xi32>,
        %parallel_loop3A_173 = arith.constant 1 : i32
        %parallel_loop3A_174 = arith.index_cast %parallel_loop3A_173 : i32 to index
        %parallel_loop3A_175 = arith.index_cast %parallel_loop3A_168 : i32 to index
        %parallel_loop3A_176 = tpu.vector_load %arg7[%parallel_loop3A_174, %parallel_loop3A_175] {strides = array<i32>} : memref<2x3200xi32, #tpu.memory_space<vmem>>, vector<16xi32>,
        %parallel_loop3A_177 = arith.constant 0 : i32
        %parallel_loop3A_178 = vector.broadcast %parallel_loop3A_177 : i32 to vector<16xi32>
        %parallel_loop3A_179 = arith.addi %parallel_loop3A_172, %parallel_loop3A_178 : vector<16xi32>
        %parallel_loop3A_180 = tpu.vector_load_idx %arg5[%parallel_loop3A_179] : memref<40000xf32, #tpu.memory_space<vmem>>[vector<16xi32>], vector<16xf32>,
        %parallel_loop3A_181 = arith.constant 0 : i32
        %parallel_loop3A_182 = vector.broadcast %parallel_loop3A_181 : i32 to vector<16xi32>
        %parallel_loop3A_183 = arith.addi %parallel_loop3A_176, %parallel_loop3A_182 : vector<16xi32>
        %parallel_loop3A_184 = tpu.vector_load_idx %arg5[%parallel_loop3A_183] : memref<40000xf32, #tpu.memory_space<vmem>>[vector<16xi32>], vector<16xf32>,
        %parallel_loop3A_185 = arith.mulf %parallel_loop3A_180, %parallel_loop3A_184 : vector<16xf32>
        %parallel_loop3A_186 = arith.constant 0 : i32
        %parallel_loop3A_187 = arith.index_cast %parallel_loop3A_186 : i32 to index
        %parallel_loop3A_188 = arith.index_cast %parallel_loop3A_168 : i32 to index
        %parallel_loop3A_189 = tpu.vector_load %arg11[%parallel_loop3A_187, %parallel_loop3A_188] {strides = array<i32>} : memref<4x3200xf32, #tpu.memory_space<vmem>>, vector<16xf32>,
        tpu.vector_store %arg11[%parallel_loop3A_187, %parallel_loop3A_188], %parallel_loop3A_185 {strides = array<i32>} : memref<4x3200xf32, #tpu.memory_space<vmem>>, vector<16xf32>,
        %parallel_loop3A_190 = arith.constant 10000 : i32
        %parallel_loop3A_191 = vector.broadcast %parallel_loop3A_190 : i32 to vector<16xi32>
        %parallel_loop3A_192 = arith.addi %parallel_loop3A_172, %parallel_loop3A_191 : vector<16xi32>
        %parallel_loop3A_193 = tpu.vector_load_idx %arg5[%parallel_loop3A_192] : memref<40000xf32, #tpu.memory_space<vmem>>[vector<16xi32>], vector<16xf32>,
        %parallel_loop3A_194 = arith.constant 10000 : i32
        %parallel_loop3A_195 = vector.broadcast %parallel_loop3A_194 : i32 to vector<16xi32>
        %parallel_loop3A_196 = arith.addi %parallel_loop3A_176, %parallel_loop3A_195 : vector<16xi32>
        %parallel_loop3A_197 = tpu.vector_load_idx %arg5[%parallel_loop3A_196] : memref<40000xf32, #tpu.memory_space<vmem>>[vector<16xi32>], vector<16xf32>,
        %parallel_loop3A_198 = arith.mulf %parallel_loop3A_193, %parallel_loop3A_197 : vector<16xf32>
        %parallel_loop3A_199 = arith.constant 1 : i32
        %parallel_loop3A_200 = arith.index_cast %parallel_loop3A_199 : i32 to index
        %parallel_loop3A_201 = arith.index_cast %parallel_loop3A_168 : i32 to index
        %parallel_loop3A_202 = tpu.vector_load %arg11[%parallel_loop3A_200, %parallel_loop3A_201] {strides = array<i32>} : memref<4x3200xf32, #tpu.memory_space<vmem>>, vector<16xf32>,
        tpu.vector_store %arg11[%parallel_loop3A_200, %parallel_loop3A_201], %parallel_loop3A_198 {strides = array<i32>} : memref<4x3200xf32, #tpu.memory_space<vmem>>, vector<16xf32>,
        %parallel_loop3A_203 = arith.constant 20000 : i32
        %parallel_loop3A_204 = vector.broadcast %parallel_loop3A_203 : i32 to vector<16xi32>
        %parallel_loop3A_205 = arith.addi %parallel_loop3A_172, %parallel_loop3A_204 : vector<16xi32>
        %parallel_loop3A_206 = tpu.vector_load_idx %arg5[%parallel_loop3A_205] : memref<40000xf32, #tpu.memory_space<vmem>>[vector<16xi32>], vector<16xf32>,
        %parallel_loop3A_207 = arith.constant 20000 : i32
        %parallel_loop3A_208 = vector.broadcast %parallel_loop3A_207 : i32 to vector<16xi32>
        %parallel_loop3A_209 = arith.addi %parallel_loop3A_176, %parallel_loop3A_208 : vector<16xi32>
        %parallel_loop3A_210 = tpu.vector_load_idx %arg5[%parallel_loop3A_209] : memref<40000xf32, #tpu.memory_space<vmem>>[vector<16xi32>], vector<16xf32>,
        %parallel_loop3A_211 = arith.mulf %parallel_loop3A_206, %parallel_loop3A_210 : vector<16xf32>
        %parallel_loop3A_212 = arith.constant 2 : i32
        %parallel_loop3A_213 = arith.index_cast %parallel_loop3A_212 : i32 to index
        %parallel_loop3A_214 = arith.index_cast %parallel_loop3A_168 : i32 to index
        %parallel_loop3A_215 = tpu.vector_load %arg11[%parallel_loop3A_213, %parallel_loop3A_214] {strides = array<i32>} : memref<4x3200xf32, #tpu.memory_space<vmem>>, vector<16xf32>,
        tpu.vector_store %arg11[%parallel_loop3A_213, %parallel_loop3A_214], %parallel_loop3A_211 {strides = array<i32>} : memref<4x3200xf32, #tpu.memory_space<vmem>>, vector<16xf32>,
        %parallel_loop3A_216 = arith.constant 30000 : i32
        %parallel_loop3A_217 = vector.broadcast %parallel_loop3A_216 : i32 to vector<16xi32>
        %parallel_loop3A_218 = arith.addi %parallel_loop3A_172, %parallel_loop3A_217 : vector<16xi32>
        %parallel_loop3A_219 = tpu.vector_load_idx %arg5[%parallel_loop3A_218] : memref<40000xf32, #tpu.memory_space<vmem>>[vector<16xi32>], vector<16xf32>,
        %parallel_loop3A_220 = arith.constant 30000 : i32
        %parallel_loop3A_221 = vector.broadcast %parallel_loop3A_220 : i32 to vector<16xi32>
        %parallel_loop3A_222 = arith.addi %parallel_loop3A_176, %parallel_loop3A_221 : vector<16xi32>
        %parallel_loop3A_223 = tpu.vector_load_idx %arg5[%parallel_loop3A_222] : memref<40000xf32, #tpu.memory_space<vmem>>[vector<16xi32>], vector<16xf32>,
        %parallel_loop3A_224 = arith.mulf %parallel_loop3A_219, %parallel_loop3A_223 : vector<16xf32>
        %parallel_loop3A_225 = arith.constant 3 : i32
        %parallel_loop3A_226 = arith.index_cast %parallel_loop3A_225 : i32 to index
        %parallel_loop3A_227 = arith.index_cast %parallel_loop3A_168 : i32 to index
        %parallel_loop3A_228 = tpu.vector_load %arg11[%parallel_loop3A_226, %parallel_loop3A_227] {strides = array<i32>} : memref<4x3200xf32, #tpu.memory_space<vmem>>, vector<16xf32>,
        tpu.vector_store %arg11[%parallel_loop3A_226, %parallel_loop3A_227], %parallel_loop3A_224 {strides = array<i32>} : memref<4x3200xf32, #tpu.memory_space<vmem>>, vector<16xf32>,
      } {sc.loop_unroll_factor = 4 : i64, sc.parallel_access}
      %dma_start3A_101 = tpu.memref_slice %arg4[%mul3A_2, %mul3A_86] : memref<128x320000xf32, #tpu.memory_space<hbm>> -> memref<4x3200xf32, #tpu.memory_space<hbm>>
      %dma_start3A_102 = tpu.memref_slice %arg4[%mul3A_2, %mul3A_86] : memref<128x320000xf32, #tpu.memory_space<hbm>> -> memref<4x3200xf32, #tpu.memory_space<hbm>>
      tpu.enqueue_dma source(%arg11 : memref<4x3200xf32, #tpu.memory_space<vmem>>) target(%dma_start3A_102 : memref<4x3200xf32, #tpu.memory_space<hbm>>) target_semaphore(%arg19 : memref<!tpu.dma_semaphore, #tpu.memory_space<semaphore_mem>>)
      %add3A_103 = arith.constant 4 : i32
      %add3A_104 = arith.addi %add3A_84, %add3A_103 : i32
      %lt3A_105 = arith.constant 100 : i32
      %lt3A_106 = arith.cmpi slt, %add3A_104, %lt3A_105 : i32
      %convert_element_type3A_107 = arith.extui %lt3A_106 : i1 to i32
      %cond3A_108 = arith.constant 0 : i32
      %cond3A_109 = arith.cmpi ne, %convert_element_type3A_107, %cond3A_108 : i32
      scf.if %cond3A_109 {
        %add3A_168 = arith.constant 12800 : i32
        %add3A_169 = arith.addi %mul3A_86, %add3A_168 : i32
        %dma_start3A_170 = arith.constant 0 : i32
        %dma_start3A_171 = tpu.memref_slice %arg3[%dma_start3A_170, %add3A_169] : memref<2x320000xi32, #tpu.memory_space<hbm>> -> memref<2x3200xi32, #tpu.memory_space<hbm>>
        %dma_start3A_172 = arith.constant 0 : i32
        %dma_start3A_173 = tpu.memref_slice %arg3[%dma_start3A_172, %add3A_169] : memref<2x320000xi32, #tpu.memory_space<hbm>> -> memref<2x3200xi32, #tpu.memory_space<hbm>>
        tpu.enqueue_dma source(%dma_start3A_173 : memref<2x3200xi32, #tpu.memory_space<hbm>>) target(%arg7 : memref<2x3200xi32, #tpu.memory_space<vmem>>) target_semaphore(%arg15 : memref<!tpu.dma_semaphore, #tpu.memory_space<semaphore_mem>>)
      } else {
      }
      %mul3A_110 = arith.constant 4 : i32
      %mul3A_111 = arith.muli %scan3A_56, %mul3A_110 : i32
      %add3A_112 = arith.constant 2 : i32
      %add3A_113 = arith.addi %mul3A_111, %add3A_112 : i32
      %mul3A_114 = arith.constant 3200 : i32
      %mul3A_115 = arith.muli %add3A_113, %mul3A_114 : i32
      %dma_wait3A_116 = arith.constant 0 : i32
      %dma_wait3A_117 = arith.constant 0 : i32
      %dma_wait3A_118 = tpu.memref_slice %arg3[%dma_wait3A_116, %dma_wait3A_117] : memref<2x320000xi32, #tpu.memory_space<hbm>> -> memref<2x3200xi32, #tpu.memory_space<hbm>>
      %dma_wait3A_119 = arith.constant 0 : i32
      %dma_wait3A_120 = arith.constant 0 : i32
      %dma_wait3A_121 = tpu.memref_slice %arg3[%dma_wait3A_119, %dma_wait3A_120] : memref<2x320000xi32, #tpu.memory_space<hbm>> -> memref<2x3200xi32, #tpu.memory_space<hbm>>
      tpu.wait_dma2 semaphore(%arg16 : memref<!tpu.dma_semaphore, #tpu.memory_space<semaphore_mem>>) src(%dma_wait3A_121 : memref<2x3200xi32, #tpu.memory_space<hbm>>) dst(%arg8 : memref<2x3200xi32, #tpu.memory_space<vmem>>)
      %gt3A_122 = arith.constant 0 : i32
      %gt3A_123 = arith.cmpi sgt, %scan3A_56, %gt3A_122 : i32
      %convert_element_type3A_124 = arith.extui %gt3A_123 : i1 to i32
      %cond3A_125 = arith.constant 0 : i32
      %cond3A_126 = arith.cmpi ne, %convert_element_type3A_124, %cond3A_125 : i32
      scf.if %cond3A_126 {
        %dma_wait3A_168 = arith.constant 0 : i32
        %dma_wait3A_169 = arith.constant 0 : i32
        %dma_wait3A_170 = tpu.memref_slice %arg4[%dma_wait3A_168, %dma_wait3A_169] : memref<128x320000xf32, #tpu.memory_space<hbm>> -> memref<4x3200xf32, #tpu.memory_space<hbm>>
        %dma_wait3A_171 = arith.constant 0 : i32
        %dma_wait3A_172 = arith.constant 0 : i32
        %dma_wait3A_173 = tpu.memref_slice %arg4[%dma_wait3A_171, %dma_wait3A_172] : memref<128x320000xf32, #tpu.memory_space<hbm>> -> memref<4x3200xf32, #tpu.memory_space<hbm>>
        tpu.wait_dma2 semaphore(%arg20 : memref<!tpu.dma_semaphore, #tpu.memory_space<semaphore_mem>>) src(%arg12 : memref<4x3200xf32, #tpu.memory_space<vmem>>) dst(%dma_wait3A_173 : memref<4x3200xf32, #tpu.memory_space<hbm>>)
      } else {
      }
      %parallel_loop3A_127 = arith.constant 0 : i32
      %parallel_loop3A_128 = arith.constant 3200 : i32
      %parallel_loop3A_129 = arith.constant 16 : i32
      scf.for %parallel_loop3A_168 = %parallel_loop3A_127 to %parallel_loop3A_128 step %parallel_loop3A_129  : i32 {
        %parallel_loop3A_169 = arith.constant 0 : i32
        %parallel_loop3A_170 = arith.index_cast %parallel_loop3A_169 : i32 to index
        %parallel_loop3A_171 = arith.index_cast %parallel_loop3A_168 : i32 to index
        %parallel_loop3A_172 = tpu.vector_load %arg8[%parallel_loop3A_170, %parallel_loop3A_171] {strides = array<i32>} : memref<2x3200xi32, #tpu.memory_space<vmem>>, vector<16xi32>,
        %parallel_loop3A_173 = arith.constant 1 : i32
        %parallel_loop3A_174 = arith.index_cast %parallel_loop3A_173 : i32 to index
        %parallel_loop3A_175 = arith.index_cast %parallel_loop3A_168 : i32 to index
        %parallel_loop3A_176 = tpu.vector_load %arg8[%parallel_loop3A_174, %parallel_loop3A_175] {strides = array<i32>} : memref<2x3200xi32, #tpu.memory_space<vmem>>, vector<16xi32>,
        %parallel_loop3A_177 = arith.constant 0 : i32
        %parallel_loop3A_178 = vector.broadcast %parallel_loop3A_177 : i32 to vector<16xi32>
        %parallel_loop3A_179 = arith.addi %parallel_loop3A_172, %parallel_loop3A_178 : vector<16xi32>
        %parallel_loop3A_180 = tpu.vector_load_idx %arg5[%parallel_loop3A_179] : memref<40000xf32, #tpu.memory_space<vmem>>[vector<16xi32>], vector<16xf32>,
        %parallel_loop3A_181 = arith.constant 0 : i32
        %parallel_loop3A_182 = vector.broadcast %parallel_loop3A_181 : i32 to vector<16xi32>
        %parallel_loop3A_183 = arith.addi %parallel_loop3A_176, %parallel_loop3A_182 : vector<16xi32>
        %parallel_loop3A_184 = tpu.vector_load_idx %arg5[%parallel_loop3A_183] : memref<40000xf32, #tpu.memory_space<vmem>>[vector<16xi32>], vector<16xf32>,
        %parallel_loop3A_185 = arith.mulf %parallel_loop3A_180, %parallel_loop3A_184 : vector<16xf32>
        %parallel_loop3A_186 = arith.constant 0 : i32
        %parallel_loop3A_187 = arith.index_cast %parallel_loop3A_186 : i32 to index
        %parallel_loop3A_188 = arith.index_cast %parallel_loop3A_168 : i32 to index
        %parallel_loop3A_189 = tpu.vector_load %arg12[%parallel_loop3A_187, %parallel_loop3A_188] {strides = array<i32>} : memref<4x3200xf32, #tpu.memory_space<vmem>>, vector<16xf32>,
        tpu.vector_store %arg12[%parallel_loop3A_187, %parallel_loop3A_188], %parallel_loop3A_185 {strides = array<i32>} : memref<4x3200xf32, #tpu.memory_space<vmem>>, vector<16xf32>,
        %parallel_loop3A_190 = arith.constant 10000 : i32
        %parallel_loop3A_191 = vector.broadcast %parallel_loop3A_190 : i32 to vector<16xi32>
        %parallel_loop3A_192 = arith.addi %parallel_loop3A_172, %parallel_loop3A_191 : vector<16xi32>
        %parallel_loop3A_193 = tpu.vector_load_idx %arg5[%parallel_loop3A_192] : memref<40000xf32, #tpu.memory_space<vmem>>[vector<16xi32>], vector<16xf32>,
        %parallel_loop3A_194 = arith.constant 10000 : i32
        %parallel_loop3A_195 = vector.broadcast %parallel_loop3A_194 : i32 to vector<16xi32>
        %parallel_loop3A_196 = arith.addi %parallel_loop3A_176, %parallel_loop3A_195 : vector<16xi32>
        %parallel_loop3A_197 = tpu.vector_load_idx %arg5[%parallel_loop3A_196] : memref<40000xf32, #tpu.memory_space<vmem>>[vector<16xi32>], vector<16xf32>,
        %parallel_loop3A_198 = arith.mulf %parallel_loop3A_193, %parallel_loop3A_197 : vector<16xf32>
        %parallel_loop3A_199 = arith.constant 1 : i32
        %parallel_loop3A_200 = arith.index_cast %parallel_loop3A_199 : i32 to index
        %parallel_loop3A_201 = arith.index_cast %parallel_loop3A_168 : i32 to index
        %parallel_loop3A_202 = tpu.vector_load %arg12[%parallel_loop3A_200, %parallel_loop3A_201] {strides = array<i32>} : memref<4x3200xf32, #tpu.memory_space<vmem>>, vector<16xf32>,
        tpu.vector_store %arg12[%parallel_loop3A_200, %parallel_loop3A_201], %parallel_loop3A_198 {strides = array<i32>} : memref<4x3200xf32, #tpu.memory_space<vmem>>, vector<16xf32>,
        %parallel_loop3A_203 = arith.constant 20000 : i32
        %parallel_loop3A_204 = vector.broadcast %parallel_loop3A_203 : i32 to vector<16xi32>
        %parallel_loop3A_205 = arith.addi %parallel_loop3A_172, %parallel_loop3A_204 : vector<16xi32>
        %parallel_loop3A_206 = tpu.vector_load_idx %arg5[%parallel_loop3A_205] : memref<40000xf32, #tpu.memory_space<vmem>>[vector<16xi32>], vector<16xf32>,
        %parallel_loop3A_207 = arith.constant 20000 : i32
        %parallel_loop3A_208 = vector.broadcast %parallel_loop3A_207 : i32 to vector<16xi32>
        %parallel_loop3A_209 = arith.addi %parallel_loop3A_176, %parallel_loop3A_208 : vector<16xi32>
        %parallel_loop3A_210 = tpu.vector_load_idx %arg5[%parallel_loop3A_209] : memref<40000xf32, #tpu.memory_space<vmem>>[vector<16xi32>], vector<16xf32>,
        %parallel_loop3A_211 = arith.mulf %parallel_loop3A_206, %parallel_loop3A_210 : vector<16xf32>
        %parallel_loop3A_212 = arith.constant 2 : i32
        %parallel_loop3A_213 = arith.index_cast %parallel_loop3A_212 : i32 to index
        %parallel_loop3A_214 = arith.index_cast %parallel_loop3A_168 : i32 to index
        %parallel_loop3A_215 = tpu.vector_load %arg12[%parallel_loop3A_213, %parallel_loop3A_214] {strides = array<i32>} : memref<4x3200xf32, #tpu.memory_space<vmem>>, vector<16xf32>,
        tpu.vector_store %arg12[%parallel_loop3A_213, %parallel_loop3A_214], %parallel_loop3A_211 {strides = array<i32>} : memref<4x3200xf32, #tpu.memory_space<vmem>>, vector<16xf32>,
        %parallel_loop3A_216 = arith.constant 30000 : i32
        %parallel_loop3A_217 = vector.broadcast %parallel_loop3A_216 : i32 to vector<16xi32>
        %parallel_loop3A_218 = arith.addi %parallel_loop3A_172, %parallel_loop3A_217 : vector<16xi32>
        %parallel_loop3A_219 = tpu.vector_load_idx %arg5[%parallel_loop3A_218] : memref<40000xf32, #tpu.memory_space<vmem>>[vector<16xi32>], vector<16xf32>,
        %parallel_loop3A_220 = arith.constant 30000 : i32
        %parallel_loop3A_221 = vector.broadcast %parallel_loop3A_220 : i32 to vector<16xi32>
        %parallel_loop3A_222 = arith.addi %parallel_loop3A_176, %parallel_loop3A_221 : vector<16xi32>
        %parallel_loop3A_223 = tpu.vector_load_idx %arg5[%parallel_loop3A_222] : memref<40000xf32, #tpu.memory_space<vmem>>[vector<16xi32>], vector<16xf32>,
        %parallel_loop3A_224 = arith.mulf %parallel_loop3A_219, %parallel_loop3A_223 : vector<16xf32>
        %parallel_loop3A_225 = arith.constant 3 : i32
        %parallel_loop3A_226 = arith.index_cast %parallel_loop3A_225 : i32 to index
        %parallel_loop3A_227 = arith.index_cast %parallel_loop3A_168 : i32 to index
        %parallel_loop3A_228 = tpu.vector_load %arg12[%parallel_loop3A_226, %parallel_loop3A_227] {strides = array<i32>} : memref<4x3200xf32, #tpu.memory_space<vmem>>, vector<16xf32>,
        tpu.vector_store %arg12[%parallel_loop3A_226, %parallel_loop3A_227], %parallel_loop3A_224 {strides = array<i32>} : memref<4x3200xf32, #tpu.memory_space<vmem>>, vector<16xf32>,
      } {sc.loop_unroll_factor = 4 : i64, sc.parallel_access}
      %dma_start3A_130 = tpu.memref_slice %arg4[%mul3A_2, %mul3A_115] : memref<128x320000xf32, #tpu.memory_space<hbm>> -> memref<4x3200xf32, #tpu.memory_space<hbm>>
      %dma_start3A_131 = tpu.memref_slice %arg4[%mul3A_2, %mul3A_115] : memref<128x320000xf32, #tpu.memory_space<hbm>> -> memref<4x3200xf32, #tpu.memory_space<hbm>>
      tpu.enqueue_dma source(%arg12 : memref<4x3200xf32, #tpu.memory_space<vmem>>) target(%dma_start3A_131 : memref<4x3200xf32, #tpu.memory_space<hbm>>) target_semaphore(%arg20 : memref<!tpu.dma_semaphore, #tpu.memory_space<semaphore_mem>>)
      %add3A_132 = arith.constant 4 : i32
      %add3A_133 = arith.addi %add3A_113, %add3A_132 : i32
      %lt3A_134 = arith.constant 100 : i32
      %lt3A_135 = arith.cmpi slt, %add3A_133, %lt3A_134 : i32
      %convert_element_type3A_136 = arith.extui %lt3A_135 : i1 to i32
      %cond3A_137 = arith.constant 0 : i32
      %cond3A_138 = arith.cmpi ne, %convert_element_type3A_136, %cond3A_137 : i32
      scf.if %cond3A_138 {
        %add3A_168 = arith.constant 12800 : i32
        %add3A_169 = arith.addi %mul3A_115, %add3A_168 : i32
        %dma_start3A_170 = arith.constant 0 : i32
        %dma_start3A_171 = tpu.memref_slice %arg3[%dma_start3A_170, %add3A_169] : memref<2x320000xi32, #tpu.memory_space<hbm>> -> memref<2x3200xi32, #tpu.memory_space<hbm>>
        %dma_start3A_172 = arith.constant 0 : i32
        %dma_start3A_173 = tpu.memref_slice %arg3[%dma_start3A_172, %add3A_169] : memref<2x320000xi32, #tpu.memory_space<hbm>> -> memref<2x3200xi32, #tpu.memory_space<hbm>>
        tpu.enqueue_dma source(%dma_start3A_173 : memref<2x3200xi32, #tpu.memory_space<hbm>>) target(%arg8 : memref<2x3200xi32, #tpu.memory_space<vmem>>) target_semaphore(%arg16 : memref<!tpu.dma_semaphore, #tpu.memory_space<semaphore_mem>>)
      } else {
      }
      %mul3A_139 = arith.constant 4 : i32
      %mul3A_140 = arith.muli %scan3A_56, %mul3A_139 : i32
      %add3A_141 = arith.constant 3 : i32
      %add3A_142 = arith.addi %mul3A_140, %add3A_141 : i32
      %mul3A_143 = arith.constant 3200 : i32
      %mul3A_144 = arith.muli %add3A_142, %mul3A_143 : i32
      %dma_wait3A_145 = arith.constant 0 : i32
      %dma_wait3A_146 = arith.constant 0 : i32
      %dma_wait3A_147 = tpu.memref_slice %arg3[%dma_wait3A_145, %dma_wait3A_146] : memref<2x320000xi32, #tpu.memory_space<hbm>> -> memref<2x3200xi32, #tpu.memory_space<hbm>>
      %dma_wait3A_148 = arith.constant 0 : i32
      %dma_wait3A_149 = arith.constant 0 : i32
      %dma_wait3A_150 = tpu.memref_slice %arg3[%dma_wait3A_148, %dma_wait3A_149] : memref<2x320000xi32, #tpu.memory_space<hbm>> -> memref<2x3200xi32, #tpu.memory_space<hbm>>
      tpu.wait_dma2 semaphore(%arg17 : memref<!tpu.dma_semaphore, #tpu.memory_space<semaphore_mem>>) src(%dma_wait3A_150 : memref<2x3200xi32, #tpu.memory_space<hbm>>) dst(%arg9 : memref<2x3200xi32, #tpu.memory_space<vmem>>)
      %gt3A_151 = arith.constant 0 : i32
      %gt3A_152 = arith.cmpi sgt, %scan3A_56, %gt3A_151 : i32
      %convert_element_type3A_153 = arith.extui %gt3A_152 : i1 to i32
      %cond3A_154 = arith.constant 0 : i32
      %cond3A_155 = arith.cmpi ne, %convert_element_type3A_153, %cond3A_154 : i32
      scf.if %cond3A_155 {
        %dma_wait3A_168 = arith.constant 0 : i32
        %dma_wait3A_169 = arith.constant 0 : i32
        %dma_wait3A_170 = tpu.memref_slice %arg4[%dma_wait3A_168, %dma_wait3A_169] : memref<128x320000xf32, #tpu.memory_space<hbm>> -> memref<4x3200xf32, #tpu.memory_space<hbm>>
        %dma_wait3A_171 = arith.constant 0 : i32
        %dma_wait3A_172 = arith.constant 0 : i32
        %dma_wait3A_173 = tpu.memref_slice %arg4[%dma_wait3A_171, %dma_wait3A_172] : memref<128x320000xf32, #tpu.memory_space<hbm>> -> memref<4x3200xf32, #tpu.memory_space<hbm>>
        tpu.wait_dma2 semaphore(%arg21 : memref<!tpu.dma_semaphore, #tpu.memory_space<semaphore_mem>>) src(%arg13 : memref<4x3200xf32, #tpu.memory_space<vmem>>) dst(%dma_wait3A_173 : memref<4x3200xf32, #tpu.memory_space<hbm>>)
      } else {
      }
      %parallel_loop3A_156 = arith.constant 0 : i32
      %parallel_loop3A_157 = arith.constant 3200 : i32
      %parallel_loop3A_158 = arith.constant 16 : i32
      scf.for %parallel_loop3A_168 = %parallel_loop3A_156 to %parallel_loop3A_157 step %parallel_loop3A_158  : i32 {
        %parallel_loop3A_169 = arith.constant 0 : i32
        %parallel_loop3A_170 = arith.index_cast %parallel_loop3A_169 : i32 to index
        %parallel_loop3A_171 = arith.index_cast %parallel_loop3A_168 : i32 to index
        %parallel_loop3A_172 = tpu.vector_load %arg9[%parallel_loop3A_170, %parallel_loop3A_171] {strides = array<i32>} : memref<2x3200xi32, #tpu.memory_space<vmem>>, vector<16xi32>,
        %parallel_loop3A_173 = arith.constant 1 : i32
        %parallel_loop3A_174 = arith.index_cast %parallel_loop3A_173 : i32 to index
        %parallel_loop3A_175 = arith.index_cast %parallel_loop3A_168 : i32 to index
        %parallel_loop3A_176 = tpu.vector_load %arg9[%parallel_loop3A_174, %parallel_loop3A_175] {strides = array<i32>} : memref<2x3200xi32, #tpu.memory_space<vmem>>, vector<16xi32>,
        %parallel_loop3A_177 = arith.constant 0 : i32
        %parallel_loop3A_178 = vector.broadcast %parallel_loop3A_177 : i32 to vector<16xi32>
        %parallel_loop3A_179 = arith.addi %parallel_loop3A_172, %parallel_loop3A_178 : vector<16xi32>
        %parallel_loop3A_180 = tpu.vector_load_idx %arg5[%parallel_loop3A_179] : memref<40000xf32, #tpu.memory_space<vmem>>[vector<16xi32>], vector<16xf32>,
        %parallel_loop3A_181 = arith.constant 0 : i32
        %parallel_loop3A_182 = vector.broadcast %parallel_loop3A_181 : i32 to vector<16xi32>
        %parallel_loop3A_183 = arith.addi %parallel_loop3A_176, %parallel_loop3A_182 : vector<16xi32>
        %parallel_loop3A_184 = tpu.vector_load_idx %arg5[%parallel_loop3A_183] : memref<40000xf32, #tpu.memory_space<vmem>>[vector<16xi32>], vector<16xf32>,
        %parallel_loop3A_185 = arith.mulf %parallel_loop3A_180, %parallel_loop3A_184 : vector<16xf32>
        %parallel_loop3A_186 = arith.constant 0 : i32
        %parallel_loop3A_187 = arith.index_cast %parallel_loop3A_186 : i32 to index
        %parallel_loop3A_188 = arith.index_cast %parallel_loop3A_168 : i32 to index
        %parallel_loop3A_189 = tpu.vector_load %arg13[%parallel_loop3A_187, %parallel_loop3A_188] {strides = array<i32>} : memref<4x3200xf32, #tpu.memory_space<vmem>>, vector<16xf32>,
        tpu.vector_store %arg13[%parallel_loop3A_187, %parallel_loop3A_188], %parallel_loop3A_185 {strides = array<i32>} : memref<4x3200xf32, #tpu.memory_space<vmem>>, vector<16xf32>,
        %parallel_loop3A_190 = arith.constant 10000 : i32
        %parallel_loop3A_191 = vector.broadcast %parallel_loop3A_190 : i32 to vector<16xi32>
        %parallel_loop3A_192 = arith.addi %parallel_loop3A_172, %parallel_loop3A_191 : vector<16xi32>
        %parallel_loop3A_193 = tpu.vector_load_idx %arg5[%parallel_loop3A_192] : memref<40000xf32, #tpu.memory_space<vmem>>[vector<16xi32>], vector<16xf32>,
        %parallel_loop3A_194 = arith.constant 10000 : i32
        %parallel_loop3A_195 = vector.broadcast %parallel_loop3A_194 : i32 to vector<16xi32>
        %parallel_loop3A_196 = arith.addi %parallel_loop3A_176, %parallel_loop3A_195 : vector<16xi32>
        %parallel_loop3A_197 = tpu.vector_load_idx %arg5[%parallel_loop3A_196] : memref<40000xf32, #tpu.memory_space<vmem>>[vector<16xi32>], vector<16xf32>,
        %parallel_loop3A_198 = arith.mulf %parallel_loop3A_193, %parallel_loop3A_197 : vector<16xf32>
        %parallel_loop3A_199 = arith.constant 1 : i32
        %parallel_loop3A_200 = arith.index_cast %parallel_loop3A_199 : i32 to index
        %parallel_loop3A_201 = arith.index_cast %parallel_loop3A_168 : i32 to index
        %parallel_loop3A_202 = tpu.vector_load %arg13[%parallel_loop3A_200, %parallel_loop3A_201] {strides = array<i32>} : memref<4x3200xf32, #tpu.memory_space<vmem>>, vector<16xf32>,
        tpu.vector_store %arg13[%parallel_loop3A_200, %parallel_loop3A_201], %parallel_loop3A_198 {strides = array<i32>} : memref<4x3200xf32, #tpu.memory_space<vmem>>, vector<16xf32>,
        %parallel_loop3A_203 = arith.constant 20000 : i32
        %parallel_loop3A_204 = vector.broadcast %parallel_loop3A_203 : i32 to vector<16xi32>
        %parallel_loop3A_205 = arith.addi %parallel_loop3A_172, %parallel_loop3A_204 : vector<16xi32>
        %parallel_loop3A_206 = tpu.vector_load_idx %arg5[%parallel_loop3A_205] : memref<40000xf32, #tpu.memory_space<vmem>>[vector<16xi32>], vector<16xf32>,
        %parallel_loop3A_207 = arith.constant 20000 : i32
        %parallel_loop3A_208 = vector.broadcast %parallel_loop3A_207 : i32 to vector<16xi32>
        %parallel_loop3A_209 = arith.addi %parallel_loop3A_176, %parallel_loop3A_208 : vector<16xi32>
        %parallel_loop3A_210 = tpu.vector_load_idx %arg5[%parallel_loop3A_209] : memref<40000xf32, #tpu.memory_space<vmem>>[vector<16xi32>], vector<16xf32>,
        %parallel_loop3A_211 = arith.mulf %parallel_loop3A_206, %parallel_loop3A_210 : vector<16xf32>
        %parallel_loop3A_212 = arith.constant 2 : i32
        %parallel_loop3A_213 = arith.index_cast %parallel_loop3A_212 : i32 to index
        %parallel_loop3A_214 = arith.index_cast %parallel_loop3A_168 : i32 to index
        %parallel_loop3A_215 = tpu.vector_load %arg13[%parallel_loop3A_213, %parallel_loop3A_214] {strides = array<i32>} : memref<4x3200xf32, #tpu.memory_space<vmem>>, vector<16xf32>,
        tpu.vector_store %arg13[%parallel_loop3A_213, %parallel_loop3A_214], %parallel_loop3A_211 {strides = array<i32>} : memref<4x3200xf32, #tpu.memory_space<vmem>>, vector<16xf32>,
        %parallel_loop3A_216 = arith.constant 30000 : i32
        %parallel_loop3A_217 = vector.broadcast %parallel_loop3A_216 : i32 to vector<16xi32>
        %parallel_loop3A_218 = arith.addi %parallel_loop3A_172, %parallel_loop3A_217 : vector<16xi32>
        %parallel_loop3A_219 = tpu.vector_load_idx %arg5[%parallel_loop3A_218] : memref<40000xf32, #tpu.memory_space<vmem>>[vector<16xi32>], vector<16xf32>,
        %parallel_loop3A_220 = arith.constant 30000 : i32
        %parallel_loop3A_221 = vector.broadcast %parallel_loop3A_220 : i32 to vector<16xi32>
        %parallel_loop3A_222 = arith.addi %parallel_loop3A_176, %parallel_loop3A_221 : vector<16xi32>
        %parallel_loop3A_223 = tpu.vector_load_idx %arg5[%parallel_loop3A_222] : memref<40000xf32, #tpu.memory_space<vmem>>[vector<16xi32>], vector<16xf32>,
        %parallel_loop3A_224 = arith.mulf %parallel_loop3A_219, %parallel_loop3A_223 : vector<16xf32>
        %parallel_loop3A_225 = arith.constant 3 : i32
        %parallel_loop3A_226 = arith.index_cast %parallel_loop3A_225 : i32 to index
        %parallel_loop3A_227 = arith.index_cast %parallel_loop3A_168 : i32 to index
        %parallel_loop3A_228 = tpu.vector_load %arg13[%parallel_loop3A_226, %parallel_loop3A_227] {strides = array<i32>} : memref<4x3200xf32, #tpu.memory_space<vmem>>, vector<16xf32>,
        tpu.vector_store %arg13[%parallel_loop3A_226, %parallel_loop3A_227], %parallel_loop3A_224 {strides = array<i32>} : memref<4x3200xf32, #tpu.memory_space<vmem>>, vector<16xf32>,
      } {sc.loop_unroll_factor = 4 : i64, sc.parallel_access}
      %dma_start3A_159 = tpu.memref_slice %arg4[%mul3A_2, %mul3A_144] : memref<128x320000xf32, #tpu.memory_space<hbm>> -> memref<4x3200xf32, #tpu.memory_space<hbm>>
      %dma_start3A_160 = tpu.memref_slice %arg4[%mul3A_2, %mul3A_144] : memref<128x320000xf32, #tpu.memory_space<hbm>> -> memref<4x3200xf32, #tpu.memory_space<hbm>>
      tpu.enqueue_dma source(%arg13 : memref<4x3200xf32, #tpu.memory_space<vmem>>) target(%dma_start3A_160 : memref<4x3200xf32, #tpu.memory_space<hbm>>) target_semaphore(%arg21 : memref<!tpu.dma_semaphore, #tpu.memory_space<semaphore_mem>>)
      %add3A_161 = arith.constant 4 : i32
      %add3A_162 = arith.addi %add3A_142, %add3A_161 : i32
      %lt3A_163 = arith.constant 100 : i32
      %lt3A_164 = arith.cmpi slt, %add3A_162, %lt3A_163 : i32
      %convert_element_type3A_165 = arith.extui %lt3A_164 : i1 to i32
      %cond3A_166 = arith.constant 0 : i32
      %cond3A_167 = arith.cmpi ne, %convert_element_type3A_165, %cond3A_166 : i32
      scf.if %cond3A_167 {
        %add3A_168 = arith.constant 12800 : i32
        %add3A_169 = arith.addi %mul3A_144, %add3A_168 : i32
        %dma_start3A_170 = arith.constant 0 : i32
        %dma_start3A_171 = tpu.memref_slice %arg3[%dma_start3A_170, %add3A_169] : memref<2x320000xi32, #tpu.memory_space<hbm>> -> memref<2x3200xi32, #tpu.memory_space<hbm>>
        %dma_start3A_172 = arith.constant 0 : i32
        %dma_start3A_173 = tpu.memref_slice %arg3[%dma_start3A_172, %add3A_169] : memref<2x320000xi32, #tpu.memory_space<hbm>> -> memref<2x3200xi32, #tpu.memory_space<hbm>>
        tpu.enqueue_dma source(%dma_start3A_173 : memref<2x3200xi32, #tpu.memory_space<hbm>>) target(%arg9 : memref<2x3200xi32, #tpu.memory_space<vmem>>) target_semaphore(%arg17 : memref<!tpu.dma_semaphore, #tpu.memory_space<semaphore_mem>>)
      } else {
      }
    }
    %scan3A_32 = arith.constant 25 : i32
    %dma_wait3A = arith.constant 0 : i32
    %dma_wait3A_33 = arith.constant 0 : i32
    %dma_wait3A_34 = tpu.memref_slice %arg4[%dma_wait3A, %dma_wait3A_33] : memref<128x320000xf32, #tpu.memory_space<hbm>> -> memref<4x3200xf32, #tpu.memory_space<hbm>>
    %dma_wait3A_35 = arith.constant 0 : i32
    %dma_wait3A_36 = arith.constant 0 : i32
    %dma_wait3A_37 = tpu.memref_slice %arg4[%dma_wait3A_35, %dma_wait3A_36] : memref<128x320000xf32, #tpu.memory_space<hbm>> -> memref<4x3200xf32, #tpu.memory_space<hbm>>
    tpu.wait_dma2 semaphore(%arg18 : memref<!tpu.dma_semaphore, #tpu.memory_space<semaphore_mem>>) src(%arg10 : memref<4x3200xf32, #tpu.memory_space<vmem>>) dst(%dma_wait3A_37 : memref<4x3200xf32, #tpu.memory_space<hbm>>)
    %dma_wait3A_38 = arith.constant 0 : i32
    %dma_wait3A_39 = arith.constant 0 : i32
    %dma_wait3A_40 = tpu.memref_slice %arg4[%dma_wait3A_38, %dma_wait3A_39] : memref<128x320000xf32, #tpu.memory_space<hbm>> -> memref<4x3200xf32, #tpu.memory_space<hbm>>
    %dma_wait3A_41 = arith.constant 0 : i32
    %dma_wait3A_42 = arith.constant 0 : i32
    %dma_wait3A_43 = tpu.memref_slice %arg4[%dma_wait3A_41, %dma_wait3A_42] : memref<128x320000xf32, #tpu.memory_space<hbm>> -> memref<4x3200xf32, #tpu.memory_space<hbm>>
    tpu.wait_dma2 semaphore(%arg19 : memref<!tpu.dma_semaphore, #tpu.memory_space<semaphore_mem>>) src(%arg11 : memref<4x3200xf32, #tpu.memory_space<vmem>>) dst(%dma_wait3A_43 : memref<4x3200xf32, #tpu.memory_space<hbm>>)
    %dma_wait3A_44 = arith.constant 0 : i32
    %dma_wait3A_45 = arith.constant 0 : i32
    %dma_wait3A_46 = tpu.memref_slice %arg4[%dma_wait3A_44, %dma_wait3A_45] : memref<128x320000xf32, #tpu.memory_space<hbm>> -> memref<4x3200xf32, #tpu.memory_space<hbm>>
    %dma_wait3A_47 = arith.constant 0 : i32
    %dma_wait3A_48 = arith.constant 0 : i32
    %dma_wait3A_49 = tpu.memref_slice %arg4[%dma_wait3A_47, %dma_wait3A_48] : memref<128x320000xf32, #tpu.memory_space<hbm>> -> memref<4x3200xf32, #tpu.memory_space<hbm>>
    tpu.wait_dma2 semaphore(%arg20 : memref<!tpu.dma_semaphore, #tpu.memory_space<semaphore_mem>>) src(%arg12 : memref<4x3200xf32, #tpu.memory_space<vmem>>) dst(%dma_wait3A_49 : memref<4x3200xf32, #tpu.memory_space<hbm>>)
    %dma_wait3A_50 = arith.constant 0 : i32
    %dma_wait3A_51 = arith.constant 0 : i32
    %dma_wait3A_52 = tpu.memref_slice %arg4[%dma_wait3A_50, %dma_wait3A_51] : memref<128x320000xf32, #tpu.memory_space<hbm>> -> memref<4x3200xf32, #tpu.memory_space<hbm>>
    %dma_wait3A_53 = arith.constant 0 : i32
    %dma_wait3A_54 = arith.constant 0 : i32
    %dma_wait3A_55 = tpu.memref_slice %arg4[%dma_wait3A_53, %dma_wait3A_54] : memref<128x320000xf32, #tpu.memory_space<hbm>> -> memref<4x3200xf32, #tpu.memory_space<hbm>>
    tpu.wait_dma2 semaphore(%arg21 : memref<!tpu.dma_semaphore, #tpu.memory_space<semaphore_mem>>) src(%arg13 : memref<4x3200xf32, #tpu.memory_space<vmem>>) dst(%dma_wait3A_55 : memref<4x3200xf32, #tpu.memory_space<hbm>>)
    return
  }
}

module attributes {stable_mosaic.version = 14 : i64} {
  func.func @_sqrt_body(%arg0: memref<128x10000xf32, #tpu.memory_space<vmem>>, %arg1: memref<128x10000xf32, #tpu.memory_space<vmem>>) attributes {dimension_semantics = [], scalar_prefetch = 0 : i64, scratch_operands = 0 : i64, tpu.core_type = #tpu.core_type<tc>} {
    %get3A = arith.constant 0 : index
    %get3A_0 = arith.constant 0 : index
    %get3A_1 = vector.load %arg0[%get3A, %get3A_0] : memref<128x10000xf32, #tpu.memory_space<vmem>>, vector<128x10000xf32>
    %sqrt3A = math.sqrt %get3A_1 : vector<128x10000xf32>
    %swap3A = arith.constant 0 : index
    %swap3A_2 = arith.constant 0 : index
    %swap3A_3 = vector.load %arg1[%swap3A, %swap3A_2] : memref<128x10000xf32, #tpu.memory_space<vmem>>, vector<128x10000xf32>
    tpu.vector_store %arg1[%swap3A, %swap3A_2], %sqrt3A {strides = array<i32>} : memref<128x10000xf32, #tpu.memory_space<vmem>>, vector<128x10000xf32>,
    return
  }
}

</mosaic_0001>

<sc_bundles>
// kernel: kernel.4.cloned.1.call-start
scs
__scs_entry_jumppad:
0x0: {  	(pc) =	sbr.rel $0x88, $3  }
0x1: {  	(tag) =	ssettag $0x0;
	lr =	simm.s32 $0x1  }
0x2: {  	[smem:$0x3F9F] =	sst lr;
	_ =	strace $0xD0000000  }
0x3: {  	_ = 	snop  }
0x4: {  	_ = 	snop  }
0x5: {  	_ = 	snop  }
0x6: {  	_ = 	snop  }
0x7: {  	_ = 	snop  }
__scs_overlays_trampoline_lowered:
0x8: {  	[smem:$0x3FAE] =	sst s0  }
0x9: {  	[smem:$0x3FAF] =	sst s1  }
0xa: {  	[smem:$0x3FB0] =	sst s2  }
0xb: {  	[smem:$0x3FB1] =	sst s3  }
0xc: {  	[smem:$0x3FB2] =	sst s4  }
0xd: {  	[smem:$0x3FB3] =	sst s5  }
0xe: {  	[smem:$0x3FB4] =	sst s6  }
0xf: {  	[smem:$0x3FB5] =	sst s7  }
0x10: {  	[smem:$0x3FB6] =	sst s8  }
0x11: {  	[smem:$0x3FB7] =	sst s9;
	s0 =	simm.s32 @!p0 $0x0  }
0x12: {  	s1 =	sld [smem:$0x3F9D];
	s0 =	simm.s32 @p0 $0x1  }
0x13: {  	[smem:$0x3FB8] =	sst s0;
	s0 =	simm.s32 @!p1 $0x0  }
0x14: {  	s2 =	sld [smem:$0x3F9C];
	s0 =	simm.s32 @p1 $0x1  }
0x15: {  	[smem:$0x3FB9] =	sst s0;
	s0 =	simm.s32 @!p2 $0x0  }
0x16: {  	s3 =	sld [smem:$0x3FDB];
	s0 =	simm.s32 @p2 $0x1  }
0x17: {  	s4 =	simm.s32 $0x1BF5;
	[smem:$0x3FBB] =	sst s0  }
0x18: {  	s0 =	sld [smem:$0x3F9E];
	_ =	swait.ge [sflag:s4], $0x0  }
0x19: {  	s7 =	sld [smem:$0x3F9F]  }
0x1a: {  	s8 =	sadd.s32 $0xFFFFE003, lr  }
0x1b: {  	s9 =	sadd.s32 $0xFFFFFEF7, lr;
	s5 =	simm.s32 $0xFFFFFFFF;
	p2 =	slt.u32 s8, $0xFFFFF086  }
0x1c: {  	p1 =	slt.u32 s9, $0xF7A;
	s5 =	simm.s32 @!p2 $0x0  }
0x1d: {  	s5 =	simm.s32 @p1 $0x1;
	p0 =	seq.s32 s7, s2  }
0x1e: {  	s7 =	smul.u32 @!p0 $0xF7A, s2;
	p2 =	seq.s32 @!p0 s5, $0x0  }
0x1f: {  	s9 =	smul.u32 $0xF7A, s1;
	s8 =	simm.s32 @!p0 $0x1BF5;
	p2 =	por !p2, p0  }
0x20: {  	[sflag:s8] =	ssyncset.s32 @!p0 $0xFFFFF086;
	s6 =	sadd.s32 @!p0 s3, s7;
	s7 =	simm.s32 @!p0 $0x108  }
0x21: {  	s3 =	sadd.s32 s3, s9;
	s6 =	sadd.s32 @!p0 $0x88, s6;
	s7 =	simm.s32 @p2 $0x1082  }
0x22: {  	[simem:s7], [sflag:s8] =	dma.local @!p0 [hbm:s6], $0xF7A  }
0x23: {  	s9 =	sor.u32 $0xD0000000, s2;
	s6 =	simm.s32 $0x108;
	_ =	swait.ge @!p0 [sflag:s8], $0x0  }
0x24: {  	s3 =	sadd.s32 $0x88, s3;
	s6 =	simm.s32 @!p1 $0x1082;
	[sflag:s4] =	ssyncset.s32 $0xFFFFF086  }
0x25: {  	[simem:s6], [sflag:s4] =	dma.local [hbm:s3], $0xF7A  }
0x26: {  	[smem:$0x3F9F] =	sst s1;
	(tag) =	ssettag s2;
	_ =	strace s9  }
0x27: {  	s1 =	sld [smem:$0x3FAF]  }
0x28: {  	s2 =	sld [smem:$0x3FB0]  }
0x29: {  	s4 =	sld [smem:$0x3FB2]  }
0x2a: {  	p0 =	seq.s32 s5, $0x0;
	s5 =	sld [smem:$0x3FB3]  }
0x2b: {  	s6 =	sld [smem:$0x3FB4]  }
0x2c: {  	s7 =	sld [smem:$0x3FB5]  }
0x2d: {  	s3 =	simm.s32 $0x108;
	s8 =	sld [smem:$0x3FB6]  }
0x2e: {  	s3 =	simm.s32 @!p0 $0x1082;
	s9 =	sld [smem:$0x3FB7]  }
0x2f: {  	lr =	sadd.s32 s0, s3;
	s0 =	sld [smem:$0x3FAE]  }
0x30: {  	s3 =	sld [smem:$0x3FB1]  }
0x31: {  	[smem:$0x3FBA] =	sst s10  }
0x32: {  	s10 =	sld [smem:$0x3FB8];
	_ =	sdelay $0x3  }
0x33: {  	p0 =	seq.s32 s10, $0x1;
	s10 =	sld [smem:$0x3FBA];
	_ =	sdelay $0x3  }
0x34: {  	[smem:$0x3FBA] =	sst s10  }
0x35: {  	s10 =	sld [smem:$0x3FB9];
	_ =	sdelay $0x3  }
0x36: {  	p1 =	seq.s32 s10, $0x1;
	s10 =	sld [smem:$0x3FBA];
	_ =	sdelay $0x3  }
0x37: {  	[smem:$0x3FBA] =	sst s10  }
0x38: {  	s10 =	sld [smem:$0x3FBB]  }
0x39: {  	_ = 	snop;
	(pc) =	sbr.ind lr, $3  }
0x3a: {  	_ = 	snop  }
0x3b: {  	_ = 	snop  }
0x3c: {  	p2 =	seq.s32 s10, $0x1;
	s10 =	sld [smem:$0x3FBA]  }
0x3d: {  	_ =	shalt  }
0x3e: {  	_ =	shalt  }
0x3f: {  	_ =	shalt  }
0x40: {  	_ =	shalt  }
0x41: {  	_ =	shalt  }
0x42: {  	_ =	shalt  }
0x43: {  	_ =	shalt  }
0x44: {  	_ =	shalt  }
0x45: {  	_ =	shalt  }
0x46: {  	_ =	shalt  }
0x47: {  	_ =	shalt  }
0x48: {  	_ =	shalt  }
0x49: {  	_ =	shalt  }
0x4a: {  	_ =	shalt  }
0x4b: {  	_ =	shalt  }
0x4c: {  	_ =	shalt  }
0x4d: {  	_ =	shalt  }
0x4e: {  	_ =	shalt  }
0x4f: {  	_ =	shalt  }
0x50: {  	_ =	shalt  }
0x51: {  	_ =	shalt  }
0x52: {  	_ =	shalt  }
0x53: {  	_ =	shalt  }
0x54: {  	_ =	shalt  }
0x55: {  	_ =	shalt  }
0x56: {  	_ =	shalt  }
0x57: {  	_ =	shalt  }
0x58: {  	_ =	shalt  }
0x59: {  	_ =	shalt  }
0x5a: {  	_ =	shalt  }
0x5b: {  	_ =	shalt  }
0x5c: {  	_ =	shalt  }
0x5d: {  	_ =	shalt  }
0x5e: {  	_ =	shalt  }
0x5f: {  	_ =	shalt  }
0x60: {  	_ =	shalt  }
0x61: {  	_ =	shalt  }
0x62: {  	_ =	shalt  }
0x63: {  	_ =	shalt  }
0x64: {  	_ =	shalt  }
0x65: {  	_ =	shalt  }
0x66: {  	_ =	shalt  }
0x67: {  	_ =	shalt  }
0x68: {  	_ =	shalt  }
0x69: {  	_ =	shalt  }
0x6a: {  	_ =	shalt  }
0x6b: {  	_ =	shalt  }
0x6c: {  	_ =	shalt  }
0x6d: {  	_ =	shalt  }
0x6e: {  	_ =	shalt  }
0x6f: {  	_ =	shalt  }
0x70: {  	_ =	shalt  }
0x71: {  	_ =	shalt  }
0x72: {  	_ =	shalt  }
0x73: {  	_ =	shalt  }
0x74: {  	_ =	shalt  }
0x75: {  	_ =	shalt  }
0x76: {  	_ =	shalt  }
0x77: {  	_ =	shalt  }
0x78: {  	_ =	shalt  }
0x79: {  	_ =	shalt  }
0x7a: {  	_ =	shalt  }
0x7b: {  	_ =	shalt  }
0x7c: {  	_ =	shalt  }
0x7d: {  	_ =	shalt  }
0x7e: {  	_ =	shalt  }
0x7f: {  	_ =	shalt  }
0x80: {  	_ =	shalt  }
0x81: {  	_ =	shalt  }
0x82: {  	_ =	shalt  }
0x83: {  	_ =	shalt  }
0x84: {  	_ =	shalt  }
0x85: {  	_ =	shalt  }
0x86: {  	_ =	shalt  }
0x87: {  	_ =	shalt  }
.Lfunc_end0:
.L_simem_size_0:
called_computation_lowered:
.L_overlay_start_0:
0x88: {  	s2 =	sld [smem:$0x3FD9]  }
0x89: {  	s3 =	sld [smem:$0x3FFE];
	_ =	sdelay $0x1  }
0x8a: {  	s1 =	srdreg.scid  }
0x8b: {  	s0 =	sand.u32 $0x1, s1  }
0x8c: {  	s17 =	sshll.u32 s0, $0xA;
	s2 =	sadd.s32 s3, s2  }
0x8d: {  	s2 =	sadd.s32 s2, s17  }
0x8e: {  	[smem:$0x3FC6] =	sst s2  }
0x8f: {  	_ = 	snop  }
0x90: {  	s2 =	sld [smem:$0x3FC8]  }
0x91: {  	s18 =	sld [smem:$0x3FD0];
	(tm) =	ssettm $0x1  }
0x92: {  	s4 =	sld [smem:$0x3FFB];
	_ =	sdelay $0x3  }
0x93: {  	_ =	strace s4  }
0x94: {  	s4 =	sld [smem:$0x3FFC];
	_ =	sdelay $0x3  }
0x95: {  	_ =	strace s4  }
0x96: {  	s4 =	sld [smem:$0x3FFD];
	_ =	sdelay $0x3  }
0x97: {  	_ =	strace s4  }
0x98: {  	_ =	strace $0x8FFFFFFF  }
0x99: {  	s19 =	sld [smem:$0x3FDB];
	_ =	sdelay $0x1  }
0x9a: {  	s5 =	simm.s32 $_scs_section_size  }
0x9b: {  	s6 =	simm.s32 $_size__tile_overlayer_lowered;
	s7 =	simm.s32 $_tile_overlayer_lowered  }
0x9c: {  	s22 =	simm.s32 $0x1BFF;
	s21 =	sshll.u32 s7, $0x1;
	s4 =	sadd.s32 s5, s19  }
0x9d: {  	s8 =	simm.s32 $0x0;
	s20 =	sshll.u32 s6, $0x1;
	s6 =	sadd.s32 s21, s4  }
0x9e: {  	[timem:s8], [sflag:s22] =	dma.local [hbm:s6], s20  }
0x9f: {  	_ =	swait.ge [sflag:s22], s20  }
0xa0: {  	s5 =	ssub.s32 $0x0, s20;
	[sflag:s22] =	ssyncset.done $0x0  }
0xa1: {  	[sflag:s22] =	ssyncadd.s32 s5;
	_ =	sdelay $0x1  }
0xa2: {  	s23 =	simm.s32 $0x1B8B  }
0xa3: {  	_ =	swait.ge [sflag:s23], $0x1  }
0xa4: {  	[sflag:s23] =	ssyncset.done $0x0  }
0xa5: {  	s25 =	simm.s32 $0x1B8E;
	s24 =	sld [smem:$0x3FFE];
	[sflag:s23] =	ssyncadd.s32 $0xFFFFFFFF  }
0xa6: {  	s26 =	simm.s32 $execute0_lowered;
	[smem:$0x3FD2] =	sst s25  }
0xa7: {  	s6 =	sshll.u32 s26, $0x1;
	_ =	strace $0x80000046;
	[dreg:$0x1] =	wrdreg $0xFFFFFFFF  }
0xa8: {  	s28 =	simm.s32 $_size_execute0_lowered;
	s4 =	sadd.s32 s4, s6;
	[dreg:$0x0] =	wrdreg $0x0  }
0xa9: {  	s6 =	sshll.u32 s28, $0x1;
	[dreg:$0x2] =	wrdreg s4  }
0xaa: {  	[dreg:$0x3] =	wrdreg s6  }
0xab: {  	[dreg:$0x4] =	wrdreg $0xC0  }
0xac: {  	_ =	task [dreg:s8], $0x5FFFF  }
0xad: {  	[dreg:$0x1] =	wrdreg $0xFFFFFFFF  }
0xae: {  	[dreg:$0x0] =	wrdreg $0x60  }
0xaf: {  	[dreg:$0x2] =	wrdreg s24  }
0xb0: {  	[dreg:$0x3] =	wrdreg s2  }
0xb1: {  	[dreg:$0x4] =	wrdreg s18  }
0xb2: {  	[dreg:$0x5] =	wrdreg $0x9  }
0xb3: {  	_ =	task.clear_ibuf [dreg:s8], $0x6FFFF;
	_ =	strace $0x90000046  }
0xb4: {  	s29 =	simm.s32 $0x9;
	_ =	strace $0x80000048  }
0xb5: {  	_ =	swait.ge [sflag:s29], $0x1  }
0xb6: {  	[sflag:s29] =	ssyncadd.s32 $0xFFFFFFFF  }
0xb7: {  	_ =	strace $0x90000048  }
0xb8: {  	_ =	sfence  }
0xb9: {  	s30 =	sld [smem:$0x0];
	_ =	sdelay $0x2  }
0xba: {  	s31 =	sshll.u32 s1, $0xD;
	s1 =	sshrl.u32 s1, $0x2  }
0xbb: {  	s3 =	sand.u32 $0x4000, s31;
	s1 =	sadd.s32 s1, s30  }
0xbc: {  	s0 =	sor.u32 s3, s0;
	s1 =	sshll.u32 s1, $0x11  }
0xbd: {  	s0 =	sor.u32 s1, s0  }
0xbe: {  	s0 =	sadd.s32 $0x8F2B, s0  }
0xbf: {  	[sflag:s0] =	ssyncadd.remote.s32 $0x1  }
0xc0: {  	_ =	sfence.sel $0xFFFF  }
0xc1: {  	[dreg:$0x0] =	wrdreg $0xFFFFFFFF;
	(pc) =	sbr.abs _section_cstart, $3  }
0xc2: {  	[dreg:$0x1] =	wrdreg $0xFFFFFFFF  }
0xc3: {  	_ =	task.clear_ibuf [dreg:s8], $0x2FFFF;
	_ =	strace $0x9FFFFFFF  }
0xc4: {  	(tm) =	ssettm $0x7FFFFFFF  }
0xc5: {  	_ =	shalt  }
tec
execute0_lowered:
.L_overlay_start_1:
0x0: {  	(tag) =	ssettag $0x1  }
0x1: {  	s0 =	rddreg [dreg:$0x0]  }
0x2: {  	s2 =	rddreg [dreg:$0x1];
	s1 =	srdreg.scid  }
0x3: {  	s8 =	stileid.u32;
	s3 =	rddreg [dreg:$0x2]  }
0x4: {  	s4 =	simm.s32 $0x0;
	s19 =	simm.s32 $0x1;
	s20 =	simm.s32 $0x200  }
0x5: {  	s28 =	simm.s32 $0x7;
	s30 =	simm.s32 $0x4;
	s31 =	simm.s32 $0x8  }
0x6: {  	s1 =	sand.u32 $0x1, s1;
	s5 =	sshll.u32 s8, $0x1;
	[smem:$0x7FF] =	sst s4  }
0x7: {  	s22 =	smul.u32 $0x271000, s8;
	s23 =	sadd.s32 $0x320, s2;
	s25 =	sadd.s32 $0x640, s2  }
0x8: {  	s26 =	sadd.s32 $0x960, s2;
	_ =	strace $0x80000047;
	[dreg:$0x5] =	wrdreg s23  }
0x9: {  	s5 =	sor.u32 s1, s5;
	s6 =	ssub.s32 $0x2, s1;
	[dreg:$0x6] =	wrdreg s25  }
0xa: {  	s24 =	sshll.u32 s1, $0x9;
	[dreg:$0x7] =	wrdreg s26;
	s23 =	simm.s32 $0x2  }
0xb: {  	s26 =	simm.s32 $0x3;
	s5 =	smul.u32 $0x1388, s5;
	s7 =	sshrl.u32 s6, $0x1  }
.Ltmp0:
0xc: {  	s1 =	simm.s32 $0x0;
	s21 =	ssub.s32 s6, s7;
	(pc) =	sbr.rel .LBB2_1-.Ltmp0, $4  }
0xd: {  	s9 =	sor.u32 s24, s22;
	s0 =	sadd.s32 s5, s0;
	s29 =	smax.u32 s21, $0x1  }
0xe: {  	s24 =	simm.s32 $0x6;
	s0 =	sadd.s32 $0x400, s0;
	[dreg:$0x9] =	wrdreg s29  }
0xf: {  	s11 =	sadd.s32 $0xC800, s9;
	[dreg:$0x4] =	wrdreg s0;
	s0 =	sadd.s32 $0x6400, s9  }
0x10: {  	s12 =	sadd.s32 $0x12C00, s9;
	s21 =	simm.s32 $0x400;
	[dreg:$0x8] =	wrdreg s0  }
.LBB2_24:
0x11: {  	s0 =	simm.s32 $0x5  }
0x12: {  	_ =	swait.ge [sflag:s0], $0x3200  }
0x13: {  	[sflag:s0] =	ssyncset.done $0x0  }
0x14: {  	[sflag:s0] =	ssyncadd.s32 $0xFFFFCE00  }
0x15: {  	_ =	swait.ge [sflag:s24], $0x3200  }
0x16: {  	[sflag:s24] =	ssyncset.done $0x0  }
0x17: {  	[sflag:s24] =	ssyncadd.s32 $0xFFFFCE00  }
0x18: {  	_ =	swait.ge [sflag:s28], $0x3200  }
0x19: {  	[sflag:s28] =	ssyncset.done $0x0  }
0x1a: {  	[sflag:s28] =	ssyncadd.s32 $0xFFFFCE00  }
0x1b: {  	_ =	swait.ge [sflag:s31], $0x3200  }
0x1c: {  	s1 =	rddreg [dreg:$0xa]  }
0x1d: {  	s29 =	rddreg [dreg:$0x9];
	s1 =	sadd.s32 $0x1, s1  }
0x1e: {  	p0 =	sne.s32 s1, s29  }
.Ltmp1:
0x1f: {  	_ = 	snop;
	(pc) =	sbr.rel @!p0 .LBB2_25-.Ltmp1, $3  }
0x20: {  	_ =	sdelay $0x1  }
0x21: {  	[sflag:s31] =	ssyncset.done $0x0  }
0x22: {  	[sflag:s31] =	ssyncadd.s32 $0xFFFFCE00  }
.LBB2_1:
0x23: {  	[dreg:$0xa] =	wrdreg s1  }
0x24: {  	s0 =	rddreg [dreg:$0x4];
	s14 =	simm.s32 $0x9  }
0x25: {  	[tilespmem:s4], [sflag:$0x9] =	stream.linear.gather [hbm4b:s0+s4], $0x9C40, $0x38;
	[tilespmem:$0x1C880] =	vst v63  }
0x26: {  	_ =	swait.ge [sflag:s14], $0x9C40  }
0x27: {  	[sflag:s14] =	ssyncset.done $0x0  }
0x28: {  	s15 =	simm.s32 $0x9C80;
	[sflag:s14] =	ssyncadd.s32 $0xFFFF63C0  }
0x29: {  	[tilespmem:s15], [sflag:$0x1] =	stream.linear.gather [hbm4b:s2+s4], $0x1900, $0x38;
	[tilespmem:$0x1C880] =	vst v63  }
0x2a: {  	s17 =	simm.s32 $0xB580;
	s16 =	rddreg [dreg:$0x5]  }
0x2b: {  	[tilespmem:s17], [sflag:$0x2] =	stream.linear.gather [hbm4b:s16+s4], $0x1900, $0x38;
	[tilespmem:$0x1C880] =	vst v63  }
0x2c: {  	s22 =	simm.s32 $0xCE80;
	s18 =	rddreg [dreg:$0x6]  }
0x2d: {  	[tilespmem:s22], [sflag:$0x3] =	stream.linear.gather [hbm4b:s18+s4], $0x1900, $0x38;
	[tilespmem:$0x1C880] =	vst v63  }
0x2e: {  	s29 =	simm.s32 $0xE780;
	s6 =	simm.s32 $0x0;
	s25 =	rddreg [dreg:$0x7]  }
0x2f: {  	[tilespmem:s29], [sflag:$0x4] =	stream.linear.gather [hbm4b:s25+s4], $0x1900, $0x38;
	[tilespmem:$0x1C880] =	vst v63  }
.LBB2_2:
0x30: {  	_ =	swait.ge [sflag:s19], $0x1900  }
0x31: {  	p0 =	seq.s32 s6, $0x0;
	s5 =	simm.s32 $0x0;
	[sflag:s19] =	ssyncset.done $0x0  }
0x32: {  	s7 =	simm.s32 $0x0;
	s0 =	simm.s32 @!p0 $0x5;
	[sflag:s19] =	ssyncadd.s32 $0xFFFFE700  }
0x33: {  	s5 =	sand.u32 $0x40, s5;
	s7 =	sand.u32 $0x3FFFFF00, s7;
	_ =	swait.ge @!p0 [sflag:s0], $0x3200  }
0x34: {  	s7 =	sadd.s32 $0x9C80, s7;
	s8 =	sor.u32 $0x30, s5;
	[sflag:s0] =	ssyncset.done @!p0 $0x0  }
0x35: {  	s14 =	sor.u32 s8, s7;
	[sflag:s0] =	ssyncadd.s32 @!p0 $0xFFFFCE00  }
0x36: {  	v4 =	vld [tilespmem:s14+$0x0]  }
0x37: {  	s15 =	sor.u32 $0x10, s5;
	s18 =	sor.u32 $0x20, s5;
	s13 =	sor.u32 s5, s7;
	v5 =	vld [tilespmem:s14+$0x80]  }
0x38: {  	v6 =	vld [tilespmem:s13+$0x0];
	s14 =	sor.u32 s15, s7;
	s7 =	sor.u32 s18, s7  }
0x39: {  	s22 =	simm.s32 $0x0;
	v0 =	vld [tilespmem:s7+$0x0]  }
0x3a: {  	v1 =	vld [tilespmem:s7+$0x80];
	s7 =	sand.u32 $0x3FFFFE00, s22  }
0x3b: {  	s29 =	simm.s32 $0x80;
	v7 =	vld [tilespmem:s13+$0x80];
	s13 =	simm.s32 $0x40;
	s25 =	sadd.s32 $0x10080, s7  }
0x3c: {  	s0 =	sand.u32 $0x3FFFFF00, s29;
	s16 =	sor.u32 s5, s25;
	s5 =	sand.u32 $0x40, s13  }
0x3d: {  	s0 =	sadd.s32 $0x9C80, s0;
	v3 =	vld [tilespmem:s14+$0x0];
	s1 =	sor.u32 $0x10, s5  }
0x3e: {  	v2 =	vld [tilespmem:s14+$0x80];
	s17 =	sor.u32 s8, s25;
	s7 =	sor.u32 s15, s25;
	s22 =	sor.u32 s1, s0  }
0x3f: {  	s8 =	sor.u32 s18, s25;
	s14 =	sor.u32 $0x30, s5;
	s10 =	sor.u32 $0x20, s5;
	v20 =	vld [tilespmem:s22+$0x0]  }
0x40: {  	s18 =	sor.u32 s5, s0;
	s15 =	sor.u32 s14, s0;
	s0 =	sor.u32 s10, s0;
	v21 =	vld [tilespmem:s22+$0x80]  }
0x41: {  	v22 =	vld [tilespmem:s0+$0x0]  }
0x42: {  	v8 =	vld.idx.msk [tilespmem:v4+s4+$0x0], $0xffff  }
0x43: {  	v9 =	vld.idx.msk [tilespmem:v5+s4+$0x0], $0xffff  }
0x44: {  	v23 =	vld [tilespmem:s0+$0x80]  }
0x45: {  	v10 =	vld.idx.msk [tilespmem:v6+s4+$0x0], $0xffff  }
0x46: {  	v12 =	vadd.s32 $0x2710, v4;
	v11 =	vld.idx.msk [tilespmem:v7+s4+$0x0], $0xffff  }
0x47: {  	v14 =	vadd.s32 $0x2710, v5;
	v13 =	vld.idx.msk [tilespmem:v3+s4+$0x0], $0xffff  }
0x48: {  	v15 =	vld.idx.msk [tilespmem:v2+s4+$0x0], $0xffff;
	v8 =	vmul.f32 v9, v8  }
0x49: {  	v17 =	vadd.s32 $0x2710, v7;
	v16 =	vld.idx.msk [tilespmem:v0+s4+$0x0], $0xffff  }
0x4a: {  	v18 =	vld.idx.msk [tilespmem:v1+s4+$0x0], $0xffff;
	v9 =	vadd.s32 $0x2710, v6;
	[tilespmem:s17+$0x0] =	vst v8  }
0x4b: {  	v10 =	vmul.f32 v11, v10;
	v8 =	vadd.s32 $0x2710, v3;
	v11 =	vld.idx.msk [tilespmem:v12+s4+$0x0], $0xffff  }
0x4c: {  	v12 =	vadd.s32 $0x2710, v2;
	v14 =	vld.idx.msk [tilespmem:v14+s4+$0x0], $0xffff  }
0x4d: {  	v26 =	vld.idx.msk [tilespmem:v20+s4+$0x0], $0xffff;
	[tilespmem:s16+$0x0] =	vst v10;
	v10 =	vmul.f32 v15, v13;
	v13 =	vadd.s32 $0x2710, v1  }
0x4e: {  	v19 =	vadd.s32 $0x2710, v0;
	v15 =	vld.idx.msk [tilespmem:v17+s4+$0x0], $0xffff  }
0x4f: {  	[tilespmem:s7+$0x0] =	vst v10;
	v10 =	vmul.f32 v18, v16;
	v16 =	vadd.s32 $0x4E20, v4;
	v9 =	vld.idx.msk [tilespmem:v9+s4+$0x0], $0xffff  }
0x50: {  	v17 =	vadd.s32 $0x4E20, v5;
	v8 =	vld.idx.msk [tilespmem:v8+s4+$0x0], $0xffff  }
0x51: {  	[tilespmem:s8+$0x0] =	vst v10;
	v12 =	vld.idx.msk [tilespmem:v12+s4+$0x0], $0xffff;
	v10 =	vmul.f32 v14, v11  }
0x52: {  	v13 =	vld.idx.msk [tilespmem:v13+s4+$0x0], $0xffff  }
0x53: {  	v18 =	vadd.s32 $0x4E20, v7;
	v14 =	vld.idx.msk [tilespmem:v19+s4+$0x0], $0xffff;
	[tilespmem:s17+$0x80] =	vst v10  }
0x54: {  	v9 =	vmul.f32 v15, v9;
	v15 =	vld.idx.msk [tilespmem:v16+s4+$0x0], $0xffff  }
0x55: {  	v17 =	vld.idx.msk [tilespmem:v17+s4+$0x0], $0xffff  }
0x56: {  	v28 =	vld.idx.msk [tilespmem:v22+s4+$0x0], $0xffff;
	v19 =	vadd.s32 $0x4E20, v0;
	v8 =	vmul.f32 v12, v8  }
0x57: {  	v30 =	vld.idx.msk [tilespmem:v23+s4+$0x0], $0xffff;
	[tilespmem:s16+$0x80] =	vst v9  }
0x58: {  	v16 =	vadd.s32 $0x4E20, v2;
	v12 =	vld.idx.msk [tilespmem:v18+s4+$0x0], $0xffff;
	[tilespmem:s7+$0x80] =	vst v8;
	v8 =	vmul.f32 v13, v14  }
0x59: {  	v18 =	vld [tilespmem:s18+$0x80]  }
0x5a: {  	v11 =	vadd.s32 $0x4E20, v6;
	[tilespmem:s8+$0x80] =	vst v8;
	v8 =	vmul.f32 v17, v15;
	v17 =	vld [tilespmem:s15+$0x0]  }
0x5b: {  	v10 =	vadd.s32 $0x4E20, v3;
	v14 =	vld.idx.msk [tilespmem:v19+s4+$0x0], $0xffff  }
0x5c: {  	v9 =	vadd.s32 $0x4E20, v1;
	v19 =	vld [tilespmem:s15+$0x80]  }
0x5d: {  	v5 =	vadd.s32 $0x7530, v5;
	v13 =	vld.idx.msk [tilespmem:v16+s4+$0x0], $0xffff  }
0x5e: {  	v16 =	vld [tilespmem:s18+$0x0]  }
0x5f: {  	v11 =	vld.idx.msk [tilespmem:v11+s4+$0x0], $0xffff  }
0x60: {  	v10 =	vld.idx.msk [tilespmem:v10+s4+$0x0], $0xffff  }
0x61: {  	v9 =	vld.idx.msk [tilespmem:v9+s4+$0x0], $0xffff;
	[tilespmem:s17+$0x100] =	vst v8  }
0x62: {  	v8 =	vld.idx.msk [tilespmem:v5+s4+$0x0], $0xffff  }
0x63: {  	v4 =	vadd.s32 $0x7530, v4;
	v5 =	vld.idx.msk [tilespmem:v17+s4+$0x0], $0xffff  }
0x64: {  	v6 =	vadd.s32 $0x7530, v6;
	v15 =	vld.idx.msk [tilespmem:v19+s4+$0x0], $0xffff  }
0x65: {  	v7 =	vadd.s32 $0x7530, v7;
	v25 =	vld.idx.msk [tilespmem:v18+s4+$0x0], $0xffff  }
0x66: {  	v3 =	vadd.s32 $0x7530, v3;
	v11 =	vmul.f32 v12, v11;
	v24 =	vld.idx.msk [tilespmem:v16+s4+$0x0], $0xffff  }
0x67: {  	s25 =	simm.s32 $0x100;
	v12 =	vld.idx.msk [tilespmem:v21+s4+$0x0], $0xffff;
	v27 =	vadd.s32 $0x2710, v17  }
0x68: {  	s0 =	sand.u32 $0x3FFFFE00, s25;
	v4 =	vld.idx.msk [tilespmem:v4+s4+$0x0], $0xffff;
	[tilespmem:s16+$0x100] =	vst v11;
	v10 =	vmul.f32 v13, v10;
	v29 =	vadd.s32 $0x2710, v19  }
0x69: {  	s29 =	sadd.s32 $0x10080, s0;
	v11 =	vadd.s32 $0x2710, v16;
	v6 =	vld.idx.msk [tilespmem:v6+s4+$0x0], $0xffff;
	v5 =	vmul.f32 v15, v5  }
0x6a: {  	s0 =	sor.u32 s14, s29;
	v7 =	vld.idx.msk [tilespmem:v7+s4+$0x0], $0xffff;
	[tilespmem:s7+$0x100] =	vst v10;
	v15 =	vadd.s32 $0x2710, v18  }
0x6b: {  	v31 =	vadd.s32 $0x2710, v20;
	v61 =	vld.idx.msk [tilespmem:v3+s4+$0x0], $0xffff;
	v24 =	vmul.f32 v25, v24;
	[tilespmem:s0+$0x0] =	vst v5  }
0x6c: {  	s14 =	sor.u32 s5, s29;
	v12 =	vmul.f32 v12, v26;
	v5 =	vadd.s32 $0x2710, v21;
	v54 =	vld.idx.msk [tilespmem:v27+s4+$0x0], $0xffff  }
0x6d: {  	v57 =	vadd.s32 $0x2710, v23;
	s15 =	sor.u32 s1, s29;
	[tilespmem:s14+$0x0] =	vst v24;
	v56 =	vld.idx.msk [tilespmem:v29+s4+$0x0], $0xffff  }
0x6e: {  	v55 =	vadd.s32 $0x2710, v22;
	[tilespmem:s15+$0x0] =	vst v12;
	v12 =	vmul.f32 v30, v28;
	v11 =	vld.idx.msk [tilespmem:v11+s4+$0x0], $0xffff  }
0x6f: {  	s5 =	sor.u32 s10, s29;
	v2 =	vadd.s32 $0x7530, v2;
	v15 =	vld.idx.msk [tilespmem:v15+s4+$0x0], $0xffff  }
0x70: {  	v58 =	vld.idx.msk [tilespmem:v31+s4+$0x0], $0xffff;
	[tilespmem:s5+$0x0] =	vst v12;
	v12 =	vadd.s32 $0x4E20, v17  }
0x71: {  	v13 =	vadd.s32 $0x4E20, v19;
	v5 =	vld.idx.msk [tilespmem:v5+s4+$0x0], $0xffff  }
0x72: {  	v59 =	vadd.s32 $0x4E20, v16;
	v26 =	vld.idx.msk [tilespmem:v57+s4+$0x0], $0xffff;
	v10 =	vmul.f32 v56, v54  }
0x73: {  	v60 =	vadd.s32 $0x4E20, v18;
	v27 =	vld.idx.msk [tilespmem:v55+s4+$0x0], $0xffff  }
0x74: {  	v62 =	vadd.s32 $0x4E20, v20;
	v63 =	vld.idx.msk [tilespmem:v2+s4+$0x0], $0xffff;
	v3 =	vmul.f32 v15, v11;
	[tilespmem:s0+$0x80] =	vst v10  }
0x75: {  	v9 =	vmul.f32 v9, v14;
	v14 =	vadd.s32 $0x4E20, v21;
	v10 =	vld.idx.msk [tilespmem:v12+s4+$0x0], $0xffff  }
0x76: {  	v2 =	vadd.s32 $0x7530, v1;
	v12 =	vadd.s32 $0x4E20, v22;
	v15 =	vld.idx.msk [tilespmem:v13+s4+$0x0], $0xffff;
	[tilespmem:s14+$0x80] =	vst v3;
	v3 =	vmul.f32 v5, v58  }
0x77: {  	v1 =	vadd.s32 $0x7530, v16;
	[tilespmem:s8+$0x100] =	vst v9;
	v4 =	vmul.f32 v8, v4;
	v9 =	vadd.s32 $0x4E20, v23;
	v13 =	vld.idx.msk [tilespmem:v59+s4+$0x0], $0xffff  }
0x78: {  	v5 =	vadd.s32 $0x7530, v0;
	v0 =	vadd.s32 $0x7530, v18;
	v18 =	vmul.f32 v26, v27;
	v16 =	vld.idx.msk [tilespmem:v60+s4+$0x0], $0xffff;
	[tilespmem:s15+$0x80] =	vst v3  }
0x79: {  	v8 =	vadd.s32 $0x7530, v22;
	v6 =	vmul.f32 v7, v6;
	[tilespmem:s17+$0x180] =	vst v4;
	v11 =	vld.idx.msk [tilespmem:v62+s4+$0x0], $0xffff  }
0x7a: {  	v7 =	vadd.s32 $0x7530, v23;
	v17 =	vadd.s32 $0x7530, v17;
	[tilespmem:s5+$0x80] =	vst v18;
	v18 =	vmul.f32 v63, v61;
	v14 =	vld.idx.msk [tilespmem:v14+s4+$0x0], $0xffff  }
0x7b: {  	v4 =	vadd.s32 $0x7530, v20;
	[tilespmem:s16+$0x180] =	vst v6;
	v6 =	vadd.s32 $0x7530, v19;
	v3 =	vadd.s32 $0x7530, v21;
	v12 =	vld.idx.msk [tilespmem:v12+s4+$0x0], $0xffff  }
.LBB2_3:
0x7c: {  	s13 =	sadd.s32 $0x40, s13;
	v9 =	vld.idx.msk [tilespmem:v9+s4+$0x0], $0xffff;
	v10 =	vmul.f32 v15, v10;
	[tilespmem:s7+$0x180] =	vst v18;
	s7 =	smov.u32 s15  }
0x7d: {  	s16 =	sshll.u32 s13, $0x1;
	v15 =	vld.idx.msk [tilespmem:v5+s4+$0x0], $0xffff;
	v5 =	vmov v8  }
0x7e: {  	s15 =	sand.u32 $0x40, s13;
	v8 =	vmul.f32 v16, v13;
	s16 =	sand.u32 $0x3FFFFF00, s16;
	[tilespmem:s0+$0x100] =	vst v10;
	v10 =	vld.idx.msk [tilespmem:v2+s4+$0x0], $0xffff;
	v2 =	vmov v7  }
0x7f: {  	s17 =	sor.u32 $0x10, s15;
	s18 =	sor.u32 $0x30, s15;
	s22 =	sadd.s32 $0x9C80, s16;
	v7 =	vld.idx.msk [tilespmem:v17+s4+$0x0], $0xffff  }
0x80: {  	s16 =	sor.u32 $0x20, s15;
	s25 =	sor.u32 s15, s22;
	s29 =	sor.u32 s18, s22;
	[tilespmem:s14+$0x100] =	vst v8;
	v8 =	vmul.f32 v14, v11;
	v11 =	vld.idx.msk [tilespmem:v6+s4+$0x0], $0xffff  }
0x81: {  	p1 =	slt.u32 s13, $0xC40;
	s1 =	sor.u32 s17, s22;
	s22 =	sor.u32 s16, s22;
	v17 =	vld [tilespmem:s29+$0x0]  }
0x82: {  	v6 =	vld [tilespmem:s29+$0x80];
	[tilespmem:s7+$0x100] =	vst v8;
	v8 =	vmul.f32 v9, v12  }
0x83: {  	v9 =	vld [tilespmem:s25+$0x0]  }
0x84: {  	v12 =	vld [tilespmem:s25+$0x80];
	[tilespmem:s5+$0x100] =	vst v8;
	v8 =	vmul.f32 v10, v15  }
0x85: {  	v10 =	vld [tilespmem:s1+$0x0]  }
0x86: {  	v7 =	vmul.f32 v11, v7;
	v13 =	vld [tilespmem:s1+$0x80];
	[tilespmem:s8+$0x180] =	vst v8;
	s8 =	smov.u32 s5  }
0x87: {  	v11 =	vld [tilespmem:s22+$0x0]  }
0x88: {  	v14 =	vadd.s32 $0x2710, v9;
	v16 =	vadd.s32 $0x4E20, v9;
	v15 =	vadd.s32 $0x7530, v9;
	v18 =	vld [tilespmem:s22+$0x80];
	[tilespmem:s0+$0x180] =	vst v7  }
0x89: {  	v19 =	vadd.s32 $0x2710, v12;
	v20 =	vadd.s32 $0x4E20, v12;
	v21 =	vadd.s32 $0x7530, v12;
	v22 =	vld.idx.msk [tilespmem:v17+s4+$0x0], $0xffff  }
0x8a: {  	v23 =	vadd.s32 $0x2710, v10;
	v24 =	vadd.s32 $0x4E20, v10;
	v25 =	vadd.s32 $0x7530, v10;
	v26 =	vld.idx.msk [tilespmem:v6+s4+$0x0], $0xffff  }
0x8b: {  	v27 =	vld.idx.msk [tilespmem:v9+s4+$0x0], $0xffff;
	v28 =	vadd.s32 $0x2710, v13;
	v29 =	vadd.s32 $0x4E20, v13;
	v30 =	vadd.s32 $0x7530, v13  }
0x8c: {  	v12 =	vld.idx.msk [tilespmem:v12+s4+$0x0], $0xffff;
	v31 =	vadd.s32 $0x2710, v11;
	v32 =	vadd.s32 $0x4E20, v11;
	v8 =	vadd.s32 $0x7530, v11  }
0x8d: {  	v10 =	vld.idx.msk [tilespmem:v10+s4+$0x0], $0xffff;
	v33 =	vadd.s32 $0x2710, v18;
	v9 =	vadd.s32 $0x4E20, v18;
	v7 =	vadd.s32 $0x7530, v18  }
0x8e: {  	v34 =	vadd.s32 $0x2710, v17;
	s0 =	sshll.u32 s13, $0x2;
	v13 =	vld.idx.msk [tilespmem:v13+s4+$0x0], $0xffff  }
0x8f: {  	v35 =	vadd.s32 $0x2710, v6;
	s0 =	sand.u32 $0x3FFFFE00, s0;
	v11 =	vld.idx.msk [tilespmem:v11+s4+$0x0], $0xffff  }
0x90: {  	s1 =	sadd.s32 $0x10080, s0;
	v22 =	vmul.f32 v26, v22;
	v18 =	vld.idx.msk [tilespmem:v18+s4+$0x0], $0xffff  }
0x91: {  	s22 =	sor.u32 s15, s1;
	s15 =	sor.u32 s17, s1;
	s0 =	sor.u32 s18, s1;
	v26 =	vld.idx.msk [tilespmem:v1+s4+$0x0], $0xffff;
	v1 =	vmov v15  }
0x92: {  	s5 =	sor.u32 s16, s1;
	v12 =	vmul.f32 v12, v27;
	[tilespmem:s0+$0x0] =	vst v22;
	v15 =	vld.idx.msk [tilespmem:v0+s4+$0x0], $0xffff;
	v0 =	vmov v21  }
0x93: {  	v21 =	vld.idx.msk [tilespmem:v34+s4+$0x0], $0xffff  }
0x94: {  	v10 =	vmul.f32 v13, v10;
	[tilespmem:s22+$0x0] =	vst v12;
	v12 =	vld.idx.msk [tilespmem:v35+s4+$0x0], $0xffff  }
0x95: {  	v13 =	vld.idx.msk [tilespmem:v14+s4+$0x0], $0xffff  }
0x96: {  	v14 =	vld.idx.msk [tilespmem:v19+s4+$0x0], $0xffff;
	[tilespmem:s15+$0x0] =	vst v10;
	v10 =	vmul.f32 v18, v11  }
0x97: {  	v11 =	vld.idx.msk [tilespmem:v23+s4+$0x0], $0xffff  }
0x98: {  	v15 =	vmul.f32 v15, v26;
	v18 =	vld.idx.msk [tilespmem:v28+s4+$0x0], $0xffff;
	[tilespmem:s5+$0x0] =	vst v10;
	v10 =	vadd.s32 $0x4E20, v17  }
0x99: {  	v22 =	vadd.s32 $0x4E20, v6;
	v19 =	vld.idx.msk [tilespmem:v31+s4+$0x0], $0xffff  }
0x9a: {  	v12 =	vmul.f32 v12, v21;
	v23 =	vld.idx.msk [tilespmem:v33+s4+$0x0], $0xffff;
	[tilespmem:s14+$0x180] =	vst v15;
	s14 =	smov.u32 s22  }
0x9b: {  	v21 =	vld.idx.msk [tilespmem:v4+s4+$0x0], $0xffff;
	v4 =	vmov v25  }
0x9c: {  	v13 =	vmul.f32 v14, v13;
	[tilespmem:s0+$0x80] =	vst v12;
	v12 =	vld.idx.msk [tilespmem:v3+s4+$0x0], $0xffff;
	v3 =	vmov v30  }
0x9d: {  	v10 =	vld.idx.msk [tilespmem:v10+s4+$0x0], $0xffff  }
0x9e: {  	v11 =	vmul.f32 v18, v11;
	[tilespmem:s14+$0x80] =	vst v13;
	v15 =	vld.idx.msk [tilespmem:v22+s4+$0x0], $0xffff  }
.Ltmp2:
0x9f: {  	v13 =	vld.idx.msk [tilespmem:v16+s4+$0x0], $0xffff;
	(pc) =	sbr.rel @p1 .LBB2_3-.Ltmp2, $4  }
0xa0: {  	v18 =	vmul.f32 v23, v19;
	v16 =	vld.idx.msk [tilespmem:v20+s4+$0x0], $0xffff;
	[tilespmem:s15+$0x80] =	vst v11  }
0xa1: {  	v11 =	vld.idx.msk [tilespmem:v24+s4+$0x0], $0xffff  }
0xa2: {  	v17 =	vadd.s32 $0x7530, v17;
	v14 =	vld.idx.msk [tilespmem:v29+s4+$0x0], $0xffff;
	[tilespmem:s5+$0x80] =	vst v18;
	v18 =	vmul.f32 v12, v21  }
0xa3: {  	v6 =	vadd.s32 $0x7530, v6;
	v12 =	vld.idx.msk [tilespmem:v32+s4+$0x0], $0xffff  }
0xa4: {  	_ =	sdelay $0x3  }
0xa5: {  	v9 =	vld.idx.msk [tilespmem:v9+s4+$0x0], $0xffff;
	v10 =	vmul.f32 v15, v10  }
0xa6: {  	v5 =	vld.idx.msk [tilespmem:v5+s4+$0x0], $0xffff  }
0xa7: {  	v2 =	vld.idx.msk [tilespmem:v2+s4+$0x0], $0xffff;
	v13 =	vmul.f32 v16, v13;
	[tilespmem:s0+$0x100] =	vst v10  }
0xa8: {  	v10 =	vld.idx.msk [tilespmem:v17+s4+$0x0], $0xffff  }
0xa9: {  	[tilespmem:s14+$0x100] =	vst v13;
	v11 =	vmul.f32 v14, v11;
	v6 =	vld.idx.msk [tilespmem:v6+s4+$0x0], $0xffff  }
0xaa: {  	v1 =	vld.idx.msk [tilespmem:v1+s4+$0x0], $0xffff  }
0xab: {  	v0 =	vld.idx.msk [tilespmem:v0+s4+$0x0], $0xffff;
	[tilespmem:s15+$0x100] =	vst v11;
	v9 =	vmul.f32 v9, v12  }
0xac: {  	v4 =	vld.idx.msk [tilespmem:v4+s4+$0x0], $0xffff  }
0xad: {  	v3 =	vld.idx.msk [tilespmem:v3+s4+$0x0], $0xffff;
	[tilespmem:s5+$0x100] =	vst v9  }
0xae: {  	v8 =	vld.idx.msk [tilespmem:v8+s4+$0x0], $0xffff  }
0xaf: {  	v7 =	vld.idx.msk [tilespmem:v7+s4+$0x0], $0xffff  }
0xb0: {  	v2 =	vmul.f32 v2, v5  }
0xb1: {  	[tilespmem:s7+$0x180] =	vst v18;
	v61 =	vmul.f32 v6, v10  }
0xb2: {  	s7 =	smul.u32 $0x19000, s6;
	p1 =	sne.s32 s6, $0x18;
	[tilespmem:s8+$0x180] =	vst v2;
	v0 =	vmul.f32 v0, v1  }
.Ltmp3:
0xb3: {  	[tilespmem:s0+$0x180] =	vst v61;
	v62 =	vmul.f32 v3, v4;
	(pc) =	sbr.rel @p1 .LBB2_6-.Ltmp3, $4  }
0xb4: {  	s29 =	sadd.s32 s9, s7;
	[tilespmem:s14+$0x180] =	vst v0;
	v63 =	vmul.f32 v7, v8  }
0xb5: {  	s0 =	sshrl.u32 s29, $0x3;
	[tilespmem:s15+$0x180] =	vst v62  }
0xb6: {  	s1 =	simm.s32 $0x10080;
	s0 =	sadd.s32 s3, s0;
	[tilespmem:s5+$0x180] =	vst v63  }
0xb7: {  	[hbm4b:s0+s20] =	stream.strided.scatter [tilespmem:s1], [sflag:$0x5], $0x3200, s21, s20, $0x38;
	[tilespmem:$0x1C880] =	vst v63  }
.Ltmp4:
0xb8: {  	(pc) =	sbr.rel .LBB2_7-.Ltmp4, $4  }
0xb9: {  	_ = 	snop  }
0xba: {  	_ =	swait.ge [sflag:s23], $0x1900  }
0xbb: {  	[sflag:s23] =	ssyncset.done $0x0  }
0xbc: {  	[sflag:s23] =	ssyncadd.s32 $0xFFFFE700  }
.LBB2_6:
0xbd: {  	s0 =	smul.u32 $0x6400, s6;
	_ =	sdelay $0x1  }
0xbe: {  	s0 =	sshrl.u32 s0, $0x3  }
0xbf: {  	s0 =	sadd.s32 s2, s0  }
.Ltmp5:
0xc0: {  	s1 =	simm.s32 $0x9C80;
	s0 =	sadd.s32 $0xC80, s0;
	(pc) =	sbr.rel @p0 .LBB2_8-.Ltmp5, $4  }
0xc1: {  	[tilespmem:s1], [sflag:$0x1] =	stream.linear.gather [hbm4b:s0+s4], $0x1900, $0x38;
	[tilespmem:$0x1C880] =	vst v63  }
0xc2: {  	_ =	swait.ge [sflag:s23], $0x1900  }
0xc3: {  	[sflag:s23] =	ssyncset.done $0x0  }
0xc4: {  	[sflag:s23] =	ssyncadd.s32 $0xFFFFE700  }
.LBB2_7:
0xc5: {  	_ =	swait.ge [sflag:s24], $0x3200  }
0xc6: {  	[sflag:s24] =	ssyncset.done $0x0  }
0xc7: {  	[sflag:s24] =	ssyncadd.s32 $0xFFFFCE00  }
.LBB2_8:
0xc8: {  	s0 =	simm.s32 $0x0;
	s1 =	simm.s32 $0x0  }
0xc9: {  	s0 =	sand.u32 $0x40, s0;
	s1 =	sand.u32 $0x3FFFFF00, s1  }
0xca: {  	s1 =	sadd.s32 $0xB580, s1;
	s5 =	sor.u32 $0x30, s0  }
0xcb: {  	s8 =	sor.u32 s5, s1  }
0xcc: {  	s22 =	sor.u32 $0x10, s0;
	s25 =	sor.u32 $0x20, s0;
	v4 =	vld [tilespmem:s8+$0x0]  }
0xcd: {  	s13 =	sor.u32 s0, s1;
	s14 =	sor.u32 s22, s1;
	s1 =	sor.u32 s25, s1;
	v5 =	vld [tilespmem:s8+$0x80]  }
0xce: {  	s29 =	simm.s32 $0x0;
	v0 =	vld [tilespmem:s1+$0x0]  }
0xcf: {  	v1 =	vld [tilespmem:s1+$0x80];
	s1 =	sand.u32 $0x3FFFFE00, s29  }
0xd0: {  	v3 =	vld [tilespmem:s14+$0x0];
	s1 =	sadd.s32 $0x13280, s1  }
0xd1: {  	v2 =	vld [tilespmem:s14+$0x80];
	s14 =	simm.s32 $0x40;
	s18 =	sor.u32 s5, s1  }
0xd2: {  	v6 =	vld [tilespmem:s13+$0x0];
	s17 =	sor.u32 s0, s1;
	s8 =	sor.u32 s22, s1;
	s5 =	simm.s32 $0x80  }
0xd3: {  	v7 =	vld [tilespmem:s13+$0x80];
	s13 =	sor.u32 s25, s1;
	s1 =	sand.u32 $0x40, s14;
	s0 =	sand.u32 $0x3FFFFF00, s5  }
0xd4: {  	s10 =	sor.u32 $0x10, s1;
	s0 =	sadd.s32 $0xB580, s0  }
0xd5: {  	s22 =	sor.u32 s10, s0  }
0xd6: {  	s5 =	sor.u32 $0x30, s1;
	s25 =	sor.u32 $0x20, s1;
	v20 =	vld [tilespmem:s22+$0x0]  }
0xd7: {  	s15 =	sor.u32 s5, s0;
	s16 =	sor.u32 s1, s0;
	s0 =	sor.u32 s25, s0;
	v21 =	vld [tilespmem:s22+$0x80]  }
0xd8: {  	v22 =	vld [tilespmem:s0+$0x0]  }
0xd9: {  	v8 =	vld.idx.msk [tilespmem:v4+s4+$0x0], $0xffff  }
0xda: {  	v9 =	vld.idx.msk [tilespmem:v5+s4+$0x0], $0xffff  }
0xdb: {  	v23 =	vld [tilespmem:s0+$0x80]  }
0xdc: {  	v10 =	vld.idx.msk [tilespmem:v6+s4+$0x0], $0xffff  }
0xdd: {  	v12 =	vadd.s32 $0x2710, v4;
	v11 =	vld.idx.msk [tilespmem:v7+s4+$0x0], $0xffff  }
0xde: {  	v14 =	vadd.s32 $0x2710, v5;
	v13 =	vld.idx.msk [tilespmem:v3+s4+$0x0], $0xffff  }
0xdf: {  	v15 =	vld.idx.msk [tilespmem:v2+s4+$0x0], $0xffff;
	v8 =	vmul.f32 v9, v8  }
0xe0: {  	v17 =	vadd.s32 $0x2710, v7;
	v16 =	vld.idx.msk [tilespmem:v0+s4+$0x0], $0xffff  }
0xe1: {  	v18 =	vld.idx.msk [tilespmem:v1+s4+$0x0], $0xffff;
	v9 =	vadd.s32 $0x2710, v6;
	[tilespmem:s18+$0x0] =	vst v8  }
0xe2: {  	v10 =	vmul.f32 v11, v10;
	v8 =	vadd.s32 $0x2710, v3;
	v11 =	vld.idx.msk [tilespmem:v12+s4+$0x0], $0xffff  }
0xe3: {  	v12 =	vadd.s32 $0x2710, v2;
	v14 =	vld.idx.msk [tilespmem:v14+s4+$0x0], $0xffff  }
0xe4: {  	v26 =	vld.idx.msk [tilespmem:v20+s4+$0x0], $0xffff;
	[tilespmem:s17+$0x0] =	vst v10;
	v10 =	vmul.f32 v15, v13;
	v13 =	vadd.s32 $0x2710, v1  }
0xe5: {  	v19 =	vadd.s32 $0x2710, v0;
	v15 =	vld.idx.msk [tilespmem:v17+s4+$0x0], $0xffff  }
0xe6: {  	[tilespmem:s8+$0x0] =	vst v10;
	v10 =	vmul.f32 v18, v16;
	v16 =	vadd.s32 $0x4E20, v4;
	v9 =	vld.idx.msk [tilespmem:v9+s4+$0x0], $0xffff  }
0xe7: {  	v17 =	vadd.s32 $0x4E20, v5;
	v8 =	vld.idx.msk [tilespmem:v8+s4+$0x0], $0xffff  }
0xe8: {  	[tilespmem:s13+$0x0] =	vst v10;
	v12 =	vld.idx.msk [tilespmem:v12+s4+$0x0], $0xffff;
	v10 =	vmul.f32 v14, v11  }
0xe9: {  	v13 =	vld.idx.msk [tilespmem:v13+s4+$0x0], $0xffff  }
0xea: {  	v18 =	vadd.s32 $0x4E20, v7;
	v14 =	vld.idx.msk [tilespmem:v19+s4+$0x0], $0xffff;
	[tilespmem:s18+$0x80] =	vst v10  }
0xeb: {  	v9 =	vmul.f32 v15, v9;
	v15 =	vld.idx.msk [tilespmem:v16+s4+$0x0], $0xffff  }
0xec: {  	v17 =	vld.idx.msk [tilespmem:v17+s4+$0x0], $0xffff  }
0xed: {  	v28 =	vld.idx.msk [tilespmem:v22+s4+$0x0], $0xffff;
	v19 =	vadd.s32 $0x4E20, v0;
	v8 =	vmul.f32 v12, v8  }
0xee: {  	v30 =	vld.idx.msk [tilespmem:v23+s4+$0x0], $0xffff;
	[tilespmem:s17+$0x80] =	vst v9  }
0xef: {  	v16 =	vadd.s32 $0x4E20, v2;
	v12 =	vld.idx.msk [tilespmem:v18+s4+$0x0], $0xffff;
	[tilespmem:s8+$0x80] =	vst v8;
	v8 =	vmul.f32 v13, v14  }
0xf0: {  	v18 =	vld [tilespmem:s16+$0x80]  }
0xf1: {  	v11 =	vadd.s32 $0x4E20, v6;
	[tilespmem:s13+$0x80] =	vst v8;
	v8 =	vmul.f32 v17, v15;
	v17 =	vld [tilespmem:s15+$0x0]  }
0xf2: {  	v10 =	vadd.s32 $0x4E20, v3;
	v14 =	vld.idx.msk [tilespmem:v19+s4+$0x0], $0xffff  }
0xf3: {  	v9 =	vadd.s32 $0x4E20, v1;
	v19 =	vld [tilespmem:s15+$0x80]  }
0xf4: {  	v5 =	vadd.s32 $0x7530, v5;
	v13 =	vld.idx.msk [tilespmem:v16+s4+$0x0], $0xffff  }
0xf5: {  	v16 =	vld [tilespmem:s16+$0x0]  }
0xf6: {  	v11 =	vld.idx.msk [tilespmem:v11+s4+$0x0], $0xffff  }
0xf7: {  	v10 =	vld.idx.msk [tilespmem:v10+s4+$0x0], $0xffff  }
0xf8: {  	v9 =	vld.idx.msk [tilespmem:v9+s4+$0x0], $0xffff;
	[tilespmem:s18+$0x100] =	vst v8  }
0xf9: {  	v8 =	vld.idx.msk [tilespmem:v5+s4+$0x0], $0xffff  }
0xfa: {  	v4 =	vadd.s32 $0x7530, v4;
	v5 =	vld.idx.msk [tilespmem:v17+s4+$0x0], $0xffff  }
0xfb: {  	v6 =	vadd.s32 $0x7530, v6;
	v15 =	vld.idx.msk [tilespmem:v19+s4+$0x0], $0xffff  }
0xfc: {  	v7 =	vadd.s32 $0x7530, v7;
	v25 =	vld.idx.msk [tilespmem:v18+s4+$0x0], $0xffff  }
0xfd: {  	v3 =	vadd.s32 $0x7530, v3;
	v11 =	vmul.f32 v12, v11;
	v24 =	vld.idx.msk [tilespmem:v16+s4+$0x0], $0xffff  }
0xfe: {  	s22 =	simm.s32 $0x100;
	v12 =	vld.idx.msk [tilespmem:v21+s4+$0x0], $0xffff;
	v27 =	vadd.s32 $0x2710, v17  }
0xff: {  	s0 =	sand.u32 $0x3FFFFE00, s22;
	v4 =	vld.idx.msk [tilespmem:v4+s4+$0x0], $0xffff;
	[tilespmem:s17+$0x100] =	vst v11;
	v10 =	vmul.f32 v13, v10;
	v29 =	vadd.s32 $0x2710, v19  }
0x100: {  	s29 =	sadd.s32 $0x13280, s0;
	v11 =	vadd.s32 $0x2710, v16;
	v6 =	vld.idx.msk [tilespmem:v6+s4+$0x0], $0xffff;
	v5 =	vmul.f32 v15, v5  }
0x101: {  	s5 =	sor.u32 s5, s29;
	v7 =	vld.idx.msk [tilespmem:v7+s4+$0x0], $0xffff;
	[tilespmem:s8+$0x100] =	vst v10;
	v15 =	vadd.s32 $0x2710, v18  }
0x102: {  	v31 =	vadd.s32 $0x2710, v20;
	v61 =	vld.idx.msk [tilespmem:v3+s4+$0x0], $0xffff;
	v24 =	vmul.f32 v25, v24;
	[tilespmem:s5+$0x0] =	vst v5  }
0x103: {  	s0 =	sor.u32 s1, s29;
	v12 =	vmul.f32 v12, v26;
	v5 =	vadd.s32 $0x2710, v21;
	v54 =	vld.idx.msk [tilespmem:v27+s4+$0x0], $0xffff  }
0x104: {  	v57 =	vadd.s32 $0x2710, v23;
	s16 =	sor.u32 s10, s29;
	[tilespmem:s0+$0x0] =	vst v24;
	v56 =	vld.idx.msk [tilespmem:v29+s4+$0x0], $0xffff  }
0x105: {  	v55 =	vadd.s32 $0x2710, v22;
	[tilespmem:s16+$0x0] =	vst v12;
	v12 =	vmul.f32 v30, v28;
	v11 =	vld.idx.msk [tilespmem:v11+s4+$0x0], $0xffff  }
0x106: {  	v2 =	vadd.s32 $0x7530, v2;
	s15 =	sor.u32 s25, s29;
	v15 =	vld.idx.msk [tilespmem:v15+s4+$0x0], $0xffff  }
0x107: {  	v58 =	vld.idx.msk [tilespmem:v31+s4+$0x0], $0xffff;
	[tilespmem:s15+$0x0] =	vst v12;
	v12 =	vadd.s32 $0x4E20, v17  }
0x108: {  	v13 =	vadd.s32 $0x4E20, v19;
	v5 =	vld.idx.msk [tilespmem:v5+s4+$0x0], $0xffff  }
0x109: {  	v59 =	vadd.s32 $0x4E20, v16;
	v26 =	vld.idx.msk [tilespmem:v57+s4+$0x0], $0xffff;
	v10 =	vmul.f32 v56, v54  }
0x10a: {  	v60 =	vadd.s32 $0x4E20, v18;
	v27 =	vld.idx.msk [tilespmem:v55+s4+$0x0], $0xffff  }
0x10b: {  	v62 =	vadd.s32 $0x4E20, v20;
	v63 =	vld.idx.msk [tilespmem:v2+s4+$0x0], $0xffff;
	v3 =	vmul.f32 v15, v11;
	[tilespmem:s5+$0x80] =	vst v10  }
0x10c: {  	v9 =	vmul.f32 v9, v14;
	v14 =	vadd.s32 $0x4E20, v21;
	v10 =	vld.idx.msk [tilespmem:v12+s4+$0x0], $0xffff  }
0x10d: {  	v2 =	vadd.s32 $0x7530, v1;
	v12 =	vadd.s32 $0x4E20, v22;
	v15 =	vld.idx.msk [tilespmem:v13+s4+$0x0], $0xffff;
	[tilespmem:s0+$0x80] =	vst v3;
	v3 =	vmul.f32 v5, v58  }
0x10e: {  	v1 =	vadd.s32 $0x7530, v16;
	[tilespmem:s13+$0x100] =	vst v9;
	v4 =	vmul.f32 v8, v4;
	v9 =	vadd.s32 $0x4E20, v23;
	v13 =	vld.idx.msk [tilespmem:v59+s4+$0x0], $0xffff  }
0x10f: {  	v5 =	vadd.s32 $0x7530, v0;
	v0 =	vadd.s32 $0x7530, v18;
	v18 =	vmul.f32 v26, v27;
	v16 =	vld.idx.msk [tilespmem:v60+s4+$0x0], $0xffff;
	[tilespmem:s16+$0x80] =	vst v3  }
0x110: {  	v8 =	vadd.s32 $0x7530, v22;
	v6 =	vmul.f32 v7, v6;
	[tilespmem:s18+$0x180] =	vst v4;
	v11 =	vld.idx.msk [tilespmem:v62+s4+$0x0], $0xffff  }
0x111: {  	v7 =	vadd.s32 $0x7530, v23;
	v17 =	vadd.s32 $0x7530, v17;
	[tilespmem:s15+$0x80] =	vst v18;
	v18 =	vmul.f32 v63, v61;
	v14 =	vld.idx.msk [tilespmem:v14+s4+$0x0], $0xffff  }
0x112: {  	v4 =	vadd.s32 $0x7530, v20;
	[tilespmem:s17+$0x180] =	vst v6;
	v6 =	vadd.s32 $0x7530, v19;
	v3 =	vadd.s32 $0x7530, v21;
	v12 =	vld.idx.msk [tilespmem:v12+s4+$0x0], $0xffff  }
.LBB2_9:
0x113: {  	s14 =	sadd.s32 $0x40, s14;
	v9 =	vld.idx.msk [tilespmem:v9+s4+$0x0], $0xffff;
	v10 =	vmul.f32 v15, v10;
	[tilespmem:s8+$0x180] =	vst v18;
	s8 =	smov.u32 s16  }
0x114: {  	s1 =	sshll.u32 s14, $0x1;
	v15 =	vld.idx.msk [tilespmem:v5+s4+$0x0], $0xffff;
	v5 =	vmov v8  }
0x115: {  	s16 =	sand.u32 $0x40, s14;
	v8 =	vmul.f32 v16, v13;
	s1 =	sand.u32 $0x3FFFFF00, s1;
	[tilespmem:s5+$0x100] =	vst v10;
	v10 =	vld.idx.msk [tilespmem:v2+s4+$0x0], $0xffff;
	v2 =	vmov v7  }
0x116: {  	s18 =	sor.u32 $0x10, s16;
	s22 =	sor.u32 $0x30, s16;
	s1 =	sadd.s32 $0xB580, s1;
	v7 =	vld.idx.msk [tilespmem:v17+s4+$0x0], $0xffff  }
0x117: {  	s17 =	sor.u32 $0x20, s16;
	s25 =	sor.u32 s16, s1;
	s29 =	sor.u32 s22, s1;
	[tilespmem:s0+$0x100] =	vst v8;
	v8 =	vmul.f32 v14, v11;
	v11 =	vld.idx.msk [tilespmem:v6+s4+$0x0], $0xffff  }
0x118: {  	p2 =	slt.u32 s14, $0xC40;
	s10 =	sor.u32 s18, s1;
	s1 =	sor.u32 s17, s1;
	v17 =	vld [tilespmem:s29+$0x0]  }
0x119: {  	v6 =	vld [tilespmem:s29+$0x80];
	[tilespmem:s8+$0x100] =	vst v8;
	v8 =	vmul.f32 v9, v12  }
0x11a: {  	v9 =	vld [tilespmem:s25+$0x0]  }
0x11b: {  	v12 =	vld [tilespmem:s25+$0x80];
	[tilespmem:s15+$0x100] =	vst v8;
	v8 =	vmul.f32 v10, v15  }
0x11c: {  	v10 =	vld [tilespmem:s10+$0x0]  }
0x11d: {  	v7 =	vmul.f32 v11, v7;
	v13 =	vld [tilespmem:s10+$0x80];
	[tilespmem:s13+$0x180] =	vst v8;
	s13 =	smov.u32 s15  }
0x11e: {  	v11 =	vld [tilespmem:s1+$0x0]  }
0x11f: {  	v14 =	vadd.s32 $0x2710, v9;
	v16 =	vadd.s32 $0x4E20, v9;
	v15 =	vadd.s32 $0x7530, v9;
	v18 =	vld [tilespmem:s1+$0x80];
	[tilespmem:s5+$0x180] =	vst v7  }
0x120: {  	v19 =	vadd.s32 $0x2710, v12;
	v20 =	vadd.s32 $0x4E20, v12;
	v21 =	vadd.s32 $0x7530, v12;
	v22 =	vld.idx.msk [tilespmem:v17+s4+$0x0], $0xffff  }
0x121: {  	v23 =	vadd.s32 $0x2710, v10;
	v24 =	vadd.s32 $0x4E20, v10;
	v25 =	vadd.s32 $0x7530, v10;
	v26 =	vld.idx.msk [tilespmem:v6+s4+$0x0], $0xffff  }
0x122: {  	v27 =	vld.idx.msk [tilespmem:v9+s4+$0x0], $0xffff;
	v28 =	vadd.s32 $0x2710, v13;
	v29 =	vadd.s32 $0x4E20, v13;
	v30 =	vadd.s32 $0x7530, v13  }
0x123: {  	v12 =	vld.idx.msk [tilespmem:v12+s4+$0x0], $0xffff;
	v31 =	vadd.s32 $0x2710, v11;
	v32 =	vadd.s32 $0x4E20, v11;
	v8 =	vadd.s32 $0x7530, v11  }
0x124: {  	v10 =	vld.idx.msk [tilespmem:v10+s4+$0x0], $0xffff;
	v33 =	vadd.s32 $0x2710, v18;
	v9 =	vadd.s32 $0x4E20, v18;
	v7 =	vadd.s32 $0x7530, v18  }
0x125: {  	v34 =	vadd.s32 $0x2710, v17;
	s1 =	sshll.u32 s14, $0x2;
	v13 =	vld.idx.msk [tilespmem:v13+s4+$0x0], $0xffff  }
0x126: {  	v35 =	vadd.s32 $0x2710, v6;
	s1 =	sand.u32 $0x3FFFFE00, s1;
	v11 =	vld.idx.msk [tilespmem:v11+s4+$0x0], $0xffff  }
0x127: {  	s1 =	sadd.s32 $0x13280, s1;
	v22 =	vmul.f32 v26, v22;
	v18 =	vld.idx.msk [tilespmem:v18+s4+$0x0], $0xffff  }
0x128: {  	s10 =	sor.u32 s16, s1;
	s16 =	sor.u32 s18, s1;
	s5 =	sor.u32 s22, s1;
	v26 =	vld.idx.msk [tilespmem:v1+s4+$0x0], $0xffff;
	v1 =	vmov v15  }
0x129: {  	s15 =	sor.u32 s17, s1;
	v12 =	vmul.f32 v12, v27;
	[tilespmem:s5+$0x0] =	vst v22;
	v15 =	vld.idx.msk [tilespmem:v0+s4+$0x0], $0xffff;
	v0 =	vmov v21  }
0x12a: {  	v21 =	vld.idx.msk [tilespmem:v34+s4+$0x0], $0xffff  }
0x12b: {  	v10 =	vmul.f32 v13, v10;
	[tilespmem:s10+$0x0] =	vst v12;
	v12 =	vld.idx.msk [tilespmem:v35+s4+$0x0], $0xffff  }
0x12c: {  	v13 =	vld.idx.msk [tilespmem:v14+s4+$0x0], $0xffff  }
0x12d: {  	v14 =	vld.idx.msk [tilespmem:v19+s4+$0x0], $0xffff;
	[tilespmem:s16+$0x0] =	vst v10;
	v10 =	vmul.f32 v18, v11  }
0x12e: {  	v11 =	vld.idx.msk [tilespmem:v23+s4+$0x0], $0xffff  }
0x12f: {  	v15 =	vmul.f32 v15, v26;
	v18 =	vld.idx.msk [tilespmem:v28+s4+$0x0], $0xffff;
	[tilespmem:s15+$0x0] =	vst v10;
	v10 =	vadd.s32 $0x4E20, v17  }
0x130: {  	v22 =	vadd.s32 $0x4E20, v6;
	v19 =	vld.idx.msk [tilespmem:v31+s4+$0x0], $0xffff  }
0x131: {  	v12 =	vmul.f32 v12, v21;
	v23 =	vld.idx.msk [tilespmem:v33+s4+$0x0], $0xffff;
	[tilespmem:s0+$0x180] =	vst v15;
	s0 =	smov.u32 s10  }
0x132: {  	v21 =	vld.idx.msk [tilespmem:v4+s4+$0x0], $0xffff;
	v4 =	vmov v25  }
0x133: {  	v13 =	vmul.f32 v14, v13;
	[tilespmem:s5+$0x80] =	vst v12;
	v12 =	vld.idx.msk [tilespmem:v3+s4+$0x0], $0xffff;
	v3 =	vmov v30  }
0x134: {  	v10 =	vld.idx.msk [tilespmem:v10+s4+$0x0], $0xffff  }
0x135: {  	v11 =	vmul.f32 v18, v11;
	[tilespmem:s0+$0x80] =	vst v13;
	v15 =	vld.idx.msk [tilespmem:v22+s4+$0x0], $0xffff  }
.Ltmp6:
0x136: {  	v13 =	vld.idx.msk [tilespmem:v16+s4+$0x0], $0xffff;
	(pc) =	sbr.rel @p2 .LBB2_9-.Ltmp6, $4  }
0x137: {  	v18 =	vmul.f32 v23, v19;
	v16 =	vld.idx.msk [tilespmem:v20+s4+$0x0], $0xffff;
	[tilespmem:s16+$0x80] =	vst v11  }
0x138: {  	v11 =	vld.idx.msk [tilespmem:v24+s4+$0x0], $0xffff  }
0x139: {  	v17 =	vadd.s32 $0x7530, v17;
	v14 =	vld.idx.msk [tilespmem:v29+s4+$0x0], $0xffff;
	[tilespmem:s15+$0x80] =	vst v18;
	v18 =	vmul.f32 v12, v21  }
0x13a: {  	v6 =	vadd.s32 $0x7530, v6;
	v12 =	vld.idx.msk [tilespmem:v32+s4+$0x0], $0xffff  }
0x13b: {  	_ =	sdelay $0x3  }
0x13c: {  	v9 =	vld.idx.msk [tilespmem:v9+s4+$0x0], $0xffff;
	v10 =	vmul.f32 v15, v10  }
0x13d: {  	v5 =	vld.idx.msk [tilespmem:v5+s4+$0x0], $0xffff  }
0x13e: {  	v2 =	vld.idx.msk [tilespmem:v2+s4+$0x0], $0xffff;
	v13 =	vmul.f32 v16, v13;
	[tilespmem:s5+$0x100] =	vst v10  }
0x13f: {  	v10 =	vld.idx.msk [tilespmem:v17+s4+$0x0], $0xffff  }
0x140: {  	[tilespmem:s0+$0x100] =	vst v13;
	v11 =	vmul.f32 v14, v11;
	v6 =	vld.idx.msk [tilespmem:v6+s4+$0x0], $0xffff  }
0x141: {  	v1 =	vld.idx.msk [tilespmem:v1+s4+$0x0], $0xffff  }
0x142: {  	v0 =	vld.idx.msk [tilespmem:v0+s4+$0x0], $0xffff;
	[tilespmem:s16+$0x100] =	vst v11;
	v9 =	vmul.f32 v9, v12  }
0x143: {  	v4 =	vld.idx.msk [tilespmem:v4+s4+$0x0], $0xffff  }
0x144: {  	v3 =	vld.idx.msk [tilespmem:v3+s4+$0x0], $0xffff;
	[tilespmem:s15+$0x100] =	vst v9  }
0x145: {  	v2 =	vmul.f32 v2, v5;
	v8 =	vld.idx.msk [tilespmem:v8+s4+$0x0], $0xffff  }
0x146: {  	[tilespmem:s8+$0x180] =	vst v18;
	v7 =	vld.idx.msk [tilespmem:v7+s4+$0x0], $0xffff;
	v61 =	vmul.f32 v6, v10  }
0x147: {  	[tilespmem:s13+$0x180] =	vst v2;
	v0 =	vmul.f32 v0, v1  }
0x148: {  	[tilespmem:s5+$0x180] =	vst v61  }
0x149: {  	[tilespmem:s0+$0x180] =	vst v0  }
.Ltmp7:
0x14a: {  	v62 =	vmul.f32 v3, v4;
	s0 =	rddreg [dreg:$0x8];
	(pc) =	sbr.rel @p1 .LBB2_12-.Ltmp7, $4  }
0x14b: {  	v63 =	vmul.f32 v7, v8;
	s0 =	sadd.s32 s0, s7  }
0x14c: {  	[tilespmem:s16+$0x180] =	vst v62;
	s0 =	sshrl.u32 s0, $0x3  }
0x14d: {  	s1 =	simm.s32 $0x13280;
	[tilespmem:s15+$0x180] =	vst v63;
	s0 =	sadd.s32 s3, s0  }
0x14e: {  	[hbm4b:s0+s20] =	stream.strided.scatter [tilespmem:s1], [sflag:$0x6], $0x3200, s21, s20, $0x38;
	[tilespmem:$0x1C880] =	vst v63  }
.Ltmp8:
0x14f: {  	(pc) =	sbr.rel .LBB2_13-.Ltmp8, $4  }
0x150: {  	_ = 	snop  }
0x151: {  	_ =	swait.ge [sflag:s26], $0x1900  }
0x152: {  	[sflag:s26] =	ssyncset.done $0x0  }
0x153: {  	[sflag:s26] =	ssyncadd.s32 $0xFFFFE700  }
.LBB2_12:
0x154: {  	s0 =	smul.u32 $0x6400, s6;
	_ =	sdelay $0x1  }
0x155: {  	s0 =	sshrl.u32 s0, $0x3  }
0x156: {  	s0 =	sadd.s32 s2, s0  }
.Ltmp9:
0x157: {  	s1 =	simm.s32 $0xB580;
	s0 =	sadd.s32 $0xFA0, s0;
	(pc) =	sbr.rel @p0 .LBB2_14-.Ltmp9, $4  }
0x158: {  	[tilespmem:s1], [sflag:$0x2] =	stream.linear.gather [hbm4b:s0+s4], $0x1900, $0x38;
	[tilespmem:$0x1C880] =	vst v63  }
0x159: {  	_ =	swait.ge [sflag:s26], $0x1900  }
0x15a: {  	[sflag:s26] =	ssyncset.done $0x0  }
0x15b: {  	[sflag:s26] =	ssyncadd.s32 $0xFFFFE700  }
.LBB2_13:
0x15c: {  	_ =	swait.ge [sflag:s28], $0x3200  }
0x15d: {  	[sflag:s28] =	ssyncset.done $0x0  }
0x15e: {  	[sflag:s28] =	ssyncadd.s32 $0xFFFFCE00  }
.LBB2_14:
0x15f: {  	s0 =	simm.s32 $0x0;
	s1 =	simm.s32 $0x0  }
0x160: {  	s0 =	sand.u32 $0x40, s0;
	s1 =	sand.u32 $0x3FFFFF00, s1  }
0x161: {  	s1 =	sadd.s32 $0xCE80, s1;
	s5 =	sor.u32 $0x30, s0  }
0x162: {  	s29 =	sor.u32 $0x10, s0;
	s14 =	sor.u32 $0x20, s0;
	s8 =	sor.u32 s5, s1  }
0x163: {  	s10 =	sor.u32 s0, s1;
	s13 =	sor.u32 s29, s1;
	s1 =	sor.u32 s14, s1;
	v4 =	vld [tilespmem:s8+$0x0]  }
0x164: {  	s15 =	simm.s32 $0x0;
	v0 =	vld [tilespmem:s1+$0x0]  }
0x165: {  	v1 =	vld [tilespmem:s1+$0x80];
	s1 =	sand.u32 $0x3FFFFE00, s15  }
0x166: {  	v5 =	vld [tilespmem:s8+$0x80];
	s1 =	sadd.s32 $0x16480, s1  }
0x167: {  	s16 =	simm.s32 $0x80;
	v3 =	vld [tilespmem:s13+$0x0];
	s18 =	sor.u32 s5, s1  }
0x168: {  	v2 =	vld [tilespmem:s13+$0x80];
	s17 =	sor.u32 s0, s1;
	s13 =	sor.u32 s14, s1;
	s14 =	simm.s32 $0x40  }
0x169: {  	v6 =	vld [tilespmem:s10+$0x0];
	s8 =	sor.u32 s29, s1;
	s0 =	sand.u32 $0x3FFFFF00, s16;
	s1 =	sand.u32 $0x40, s14  }
0x16a: {  	v7 =	vld [tilespmem:s10+$0x80];
	s0 =	sadd.s32 $0xCE80, s0;
	s10 =	sor.u32 $0x10, s1  }
0x16b: {  	s16 =	sor.u32 s10, s0  }
0x16c: {  	s5 =	sor.u32 $0x30, s1;
	s25 =	sor.u32 $0x20, s1;
	v20 =	vld [tilespmem:s16+$0x0]  }
0x16d: {  	s15 =	sor.u32 s1, s0;
	s22 =	sor.u32 s5, s0;
	s0 =	sor.u32 s25, s0;
	v21 =	vld [tilespmem:s16+$0x80]  }
0x16e: {  	v22 =	vld [tilespmem:s0+$0x0]  }
0x16f: {  	v8 =	vld.idx.msk [tilespmem:v4+s4+$0x0], $0xffff  }
0x170: {  	v9 =	vld.idx.msk [tilespmem:v5+s4+$0x0], $0xffff  }
0x171: {  	v23 =	vld [tilespmem:s0+$0x80]  }
0x172: {  	v10 =	vld.idx.msk [tilespmem:v6+s4+$0x0], $0xffff  }
0x173: {  	v12 =	vadd.s32 $0x2710, v4;
	v11 =	vld.idx.msk [tilespmem:v7+s4+$0x0], $0xffff  }
0x174: {  	v14 =	vadd.s32 $0x2710, v5;
	v13 =	vld.idx.msk [tilespmem:v3+s4+$0x0], $0xffff  }
0x175: {  	v15 =	vld.idx.msk [tilespmem:v2+s4+$0x0], $0xffff;
	v8 =	vmul.f32 v9, v8  }
0x176: {  	v17 =	vadd.s32 $0x2710, v7;
	v16 =	vld.idx.msk [tilespmem:v0+s4+$0x0], $0xffff  }
0x177: {  	v18 =	vld.idx.msk [tilespmem:v1+s4+$0x0], $0xffff;
	v9 =	vadd.s32 $0x2710, v6;
	[tilespmem:s18+$0x0] =	vst v8  }
0x178: {  	v10 =	vmul.f32 v11, v10;
	v8 =	vadd.s32 $0x2710, v3;
	v11 =	vld.idx.msk [tilespmem:v12+s4+$0x0], $0xffff  }
0x179: {  	v12 =	vadd.s32 $0x2710, v2;
	v14 =	vld.idx.msk [tilespmem:v14+s4+$0x0], $0xffff  }
0x17a: {  	v26 =	vld.idx.msk [tilespmem:v20+s4+$0x0], $0xffff;
	[tilespmem:s17+$0x0] =	vst v10;
	v10 =	vmul.f32 v15, v13;
	v13 =	vadd.s32 $0x2710, v1  }
0x17b: {  	v19 =	vadd.s32 $0x2710, v0;
	v15 =	vld.idx.msk [tilespmem:v17+s4+$0x0], $0xffff  }
0x17c: {  	[tilespmem:s8+$0x0] =	vst v10;
	v10 =	vmul.f32 v18, v16;
	v16 =	vadd.s32 $0x4E20, v4;
	v9 =	vld.idx.msk [tilespmem:v9+s4+$0x0], $0xffff  }
0x17d: {  	v17 =	vadd.s32 $0x4E20, v5;
	v8 =	vld.idx.msk [tilespmem:v8+s4+$0x0], $0xffff  }
0x17e: {  	[tilespmem:s13+$0x0] =	vst v10;
	v12 =	vld.idx.msk [tilespmem:v12+s4+$0x0], $0xffff;
	v10 =	vmul.f32 v14, v11  }
0x17f: {  	v13 =	vld.idx.msk [tilespmem:v13+s4+$0x0], $0xffff  }
0x180: {  	v18 =	vadd.s32 $0x4E20, v7;
	v14 =	vld.idx.msk [tilespmem:v19+s4+$0x0], $0xffff;
	[tilespmem:s18+$0x80] =	vst v10  }
0x181: {  	v9 =	vmul.f32 v15, v9;
	v15 =	vld.idx.msk [tilespmem:v16+s4+$0x0], $0xffff  }
0x182: {  	v17 =	vld.idx.msk [tilespmem:v17+s4+$0x0], $0xffff  }
0x183: {  	v28 =	vld.idx.msk [tilespmem:v22+s4+$0x0], $0xffff;
	v19 =	vadd.s32 $0x4E20, v0;
	v8 =	vmul.f32 v12, v8  }
0x184: {  	v30 =	vld.idx.msk [tilespmem:v23+s4+$0x0], $0xffff;
	[tilespmem:s17+$0x80] =	vst v9  }
0x185: {  	v16 =	vadd.s32 $0x4E20, v2;
	v12 =	vld.idx.msk [tilespmem:v18+s4+$0x0], $0xffff;
	[tilespmem:s8+$0x80] =	vst v8;
	v8 =	vmul.f32 v13, v14  }
0x186: {  	v18 =	vld [tilespmem:s15+$0x80]  }
0x187: {  	v11 =	vadd.s32 $0x4E20, v6;
	[tilespmem:s13+$0x80] =	vst v8;
	v8 =	vmul.f32 v17, v15;
	v17 =	vld [tilespmem:s22+$0x0]  }
0x188: {  	v10 =	vadd.s32 $0x4E20, v3;
	v14 =	vld.idx.msk [tilespmem:v19+s4+$0x0], $0xffff  }
0x189: {  	v9 =	vadd.s32 $0x4E20, v1;
	v19 =	vld [tilespmem:s22+$0x80]  }
0x18a: {  	v5 =	vadd.s32 $0x7530, v5;
	v13 =	vld.idx.msk [tilespmem:v16+s4+$0x0], $0xffff  }
0x18b: {  	v16 =	vld [tilespmem:s15+$0x0]  }
0x18c: {  	v11 =	vld.idx.msk [tilespmem:v11+s4+$0x0], $0xffff  }
0x18d: {  	v10 =	vld.idx.msk [tilespmem:v10+s4+$0x0], $0xffff  }
0x18e: {  	v9 =	vld.idx.msk [tilespmem:v9+s4+$0x0], $0xffff;
	[tilespmem:s18+$0x100] =	vst v8  }
0x18f: {  	v8 =	vld.idx.msk [tilespmem:v5+s4+$0x0], $0xffff  }
0x190: {  	v4 =	vadd.s32 $0x7530, v4;
	v5 =	vld.idx.msk [tilespmem:v17+s4+$0x0], $0xffff  }
0x191: {  	v6 =	vadd.s32 $0x7530, v6;
	v15 =	vld.idx.msk [tilespmem:v19+s4+$0x0], $0xffff  }
0x192: {  	v7 =	vadd.s32 $0x7530, v7;
	v25 =	vld.idx.msk [tilespmem:v18+s4+$0x0], $0xffff  }
0x193: {  	v3 =	vadd.s32 $0x7530, v3;
	v11 =	vmul.f32 v12, v11;
	v24 =	vld.idx.msk [tilespmem:v16+s4+$0x0], $0xffff  }
0x194: {  	s29 =	simm.s32 $0x100;
	v12 =	vld.idx.msk [tilespmem:v21+s4+$0x0], $0xffff;
	v27 =	vadd.s32 $0x2710, v17  }
0x195: {  	s0 =	sand.u32 $0x3FFFFE00, s29;
	v4 =	vld.idx.msk [tilespmem:v4+s4+$0x0], $0xffff;
	[tilespmem:s17+$0x100] =	vst v11;
	v10 =	vmul.f32 v13, v10;
	v29 =	vadd.s32 $0x2710, v19  }
0x196: {  	s22 =	sadd.s32 $0x16480, s0;
	v11 =	vadd.s32 $0x2710, v16;
	v6 =	vld.idx.msk [tilespmem:v6+s4+$0x0], $0xffff;
	v5 =	vmul.f32 v15, v5  }
0x197: {  	s5 =	sor.u32 s5, s22;
	v7 =	vld.idx.msk [tilespmem:v7+s4+$0x0], $0xffff;
	[tilespmem:s8+$0x100] =	vst v10;
	v15 =	vadd.s32 $0x2710, v18  }
0x198: {  	v31 =	vadd.s32 $0x2710, v20;
	v61 =	vld.idx.msk [tilespmem:v3+s4+$0x0], $0xffff;
	v24 =	vmul.f32 v25, v24;
	[tilespmem:s5+$0x0] =	vst v5  }
0x199: {  	s0 =	sor.u32 s1, s22;
	v12 =	vmul.f32 v12, v26;
	v5 =	vadd.s32 $0x2710, v21;
	v54 =	vld.idx.msk [tilespmem:v27+s4+$0x0], $0xffff  }
0x19a: {  	v57 =	vadd.s32 $0x2710, v23;
	s16 =	sor.u32 s10, s22;
	[tilespmem:s0+$0x0] =	vst v24;
	v56 =	vld.idx.msk [tilespmem:v29+s4+$0x0], $0xffff  }
0x19b: {  	v55 =	vadd.s32 $0x2710, v22;
	[tilespmem:s16+$0x0] =	vst v12;
	v12 =	vmul.f32 v30, v28;
	v11 =	vld.idx.msk [tilespmem:v11+s4+$0x0], $0xffff  }
0x19c: {  	v2 =	vadd.s32 $0x7530, v2;
	s15 =	sor.u32 s25, s22;
	v15 =	vld.idx.msk [tilespmem:v15+s4+$0x0], $0xffff  }
0x19d: {  	v58 =	vld.idx.msk [tilespmem:v31+s4+$0x0], $0xffff;
	[tilespmem:s15+$0x0] =	vst v12;
	v12 =	vadd.s32 $0x4E20, v17  }
0x19e: {  	v13 =	vadd.s32 $0x4E20, v19;
	v5 =	vld.idx.msk [tilespmem:v5+s4+$0x0], $0xffff  }
0x19f: {  	v59 =	vadd.s32 $0x4E20, v16;
	v26 =	vld.idx.msk [tilespmem:v57+s4+$0x0], $0xffff;
	v10 =	vmul.f32 v56, v54  }
0x1a0: {  	v60 =	vadd.s32 $0x4E20, v18;
	v27 =	vld.idx.msk [tilespmem:v55+s4+$0x0], $0xffff  }
0x1a1: {  	v62 =	vadd.s32 $0x4E20, v20;
	v63 =	vld.idx.msk [tilespmem:v2+s4+$0x0], $0xffff;
	v3 =	vmul.f32 v15, v11;
	[tilespmem:s5+$0x80] =	vst v10  }
0x1a2: {  	v9 =	vmul.f32 v9, v14;
	v14 =	vadd.s32 $0x4E20, v21;
	v10 =	vld.idx.msk [tilespmem:v12+s4+$0x0], $0xffff  }
0x1a3: {  	v2 =	vadd.s32 $0x7530, v1;
	v12 =	vadd.s32 $0x4E20, v22;
	v15 =	vld.idx.msk [tilespmem:v13+s4+$0x0], $0xffff;
	[tilespmem:s0+$0x80] =	vst v3;
	v3 =	vmul.f32 v5, v58  }
0x1a4: {  	v1 =	vadd.s32 $0x7530, v16;
	[tilespmem:s13+$0x100] =	vst v9;
	v4 =	vmul.f32 v8, v4;
	v9 =	vadd.s32 $0x4E20, v23;
	v13 =	vld.idx.msk [tilespmem:v59+s4+$0x0], $0xffff  }
0x1a5: {  	v5 =	vadd.s32 $0x7530, v0;
	v0 =	vadd.s32 $0x7530, v18;
	v18 =	vmul.f32 v26, v27;
	v16 =	vld.idx.msk [tilespmem:v60+s4+$0x0], $0xffff;
	[tilespmem:s16+$0x80] =	vst v3  }
0x1a6: {  	v8 =	vadd.s32 $0x7530, v22;
	v6 =	vmul.f32 v7, v6;
	[tilespmem:s18+$0x180] =	vst v4;
	v11 =	vld.idx.msk [tilespmem:v62+s4+$0x0], $0xffff  }
0x1a7: {  	v7 =	vadd.s32 $0x7530, v23;
	v17 =	vadd.s32 $0x7530, v17;
	[tilespmem:s15+$0x80] =	vst v18;
	v18 =	vmul.f32 v63, v61;
	v14 =	vld.idx.msk [tilespmem:v14+s4+$0x0], $0xffff  }
0x1a8: {  	v4 =	vadd.s32 $0x7530, v20;
	[tilespmem:s17+$0x180] =	vst v6;
	v6 =	vadd.s32 $0x7530, v19;
	v3 =	vadd.s32 $0x7530, v21;
	v12 =	vld.idx.msk [tilespmem:v12+s4+$0x0], $0xffff  }
.LBB2_15:
0x1a9: {  	s14 =	sadd.s32 $0x40, s14;
	v9 =	vld.idx.msk [tilespmem:v9+s4+$0x0], $0xffff;
	v10 =	vmul.f32 v15, v10;
	[tilespmem:s8+$0x180] =	vst v18;
	s8 =	smov.u32 s16  }
0x1aa: {  	s1 =	sshll.u32 s14, $0x1;
	v15 =	vld.idx.msk [tilespmem:v5+s4+$0x0], $0xffff;
	v5 =	vmov v8  }
0x1ab: {  	s16 =	sand.u32 $0x40, s14;
	v8 =	vmul.f32 v16, v13;
	s1 =	sand.u32 $0x3FFFFF00, s1;
	[tilespmem:s5+$0x100] =	vst v10;
	v10 =	vld.idx.msk [tilespmem:v2+s4+$0x0], $0xffff;
	v2 =	vmov v7  }
0x1ac: {  	s18 =	sor.u32 $0x10, s16;
	s22 =	sor.u32 $0x30, s16;
	s1 =	sadd.s32 $0xCE80, s1;
	v7 =	vld.idx.msk [tilespmem:v17+s4+$0x0], $0xffff  }
0x1ad: {  	s17 =	sor.u32 $0x20, s16;
	s10 =	sor.u32 s16, s1;
	s25 =	sor.u32 s22, s1;
	[tilespmem:s0+$0x100] =	vst v8;
	v8 =	vmul.f32 v14, v11;
	v11 =	vld.idx.msk [tilespmem:v6+s4+$0x0], $0xffff  }
0x1ae: {  	p2 =	slt.u32 s14, $0xC40;
	s29 =	sor.u32 s18, s1;
	s1 =	sor.u32 s17, s1;
	v17 =	vld [tilespmem:s25+$0x0]  }
0x1af: {  	v6 =	vld [tilespmem:s25+$0x80];
	[tilespmem:s8+$0x100] =	vst v8;
	v8 =	vmul.f32 v9, v12  }
0x1b0: {  	v9 =	vld [tilespmem:s10+$0x0]  }
0x1b1: {  	v12 =	vld [tilespmem:s10+$0x80];
	[tilespmem:s15+$0x100] =	vst v8;
	v8 =	vmul.f32 v10, v15  }
0x1b2: {  	v10 =	vld [tilespmem:s29+$0x0]  }
0x1b3: {  	v7 =	vmul.f32 v11, v7;
	v13 =	vld [tilespmem:s29+$0x80];
	[tilespmem:s13+$0x180] =	vst v8;
	s13 =	smov.u32 s15  }
0x1b4: {  	v11 =	vld [tilespmem:s1+$0x0]  }
0x1b5: {  	v14 =	vadd.s32 $0x2710, v9;
	v16 =	vadd.s32 $0x4E20, v9;
	v15 =	vadd.s32 $0x7530, v9;
	v18 =	vld [tilespmem:s1+$0x80];
	[tilespmem:s5+$0x180] =	vst v7  }
0x1b6: {  	v19 =	vadd.s32 $0x2710, v12;
	v20 =	vadd.s32 $0x4E20, v12;
	v21 =	vadd.s32 $0x7530, v12;
	v22 =	vld.idx.msk [tilespmem:v17+s4+$0x0], $0xffff  }
0x1b7: {  	v23 =	vadd.s32 $0x2710, v10;
	v24 =	vadd.s32 $0x4E20, v10;
	v25 =	vadd.s32 $0x7530, v10;
	v26 =	vld.idx.msk [tilespmem:v6+s4+$0x0], $0xffff  }
0x1b8: {  	v27 =	vld.idx.msk [tilespmem:v9+s4+$0x0], $0xffff;
	v28 =	vadd.s32 $0x2710, v13;
	v29 =	vadd.s32 $0x4E20, v13;
	v30 =	vadd.s32 $0x7530, v13  }
0x1b9: {  	v12 =	vld.idx.msk [tilespmem:v12+s4+$0x0], $0xffff;
	v31 =	vadd.s32 $0x2710, v11;
	v32 =	vadd.s32 $0x4E20, v11;
	v8 =	vadd.s32 $0x7530, v11  }
0x1ba: {  	v10 =	vld.idx.msk [tilespmem:v10+s4+$0x0], $0xffff;
	v33 =	vadd.s32 $0x2710, v18;
	v9 =	vadd.s32 $0x4E20, v18;
	v7 =	vadd.s32 $0x7530, v18  }
0x1bb: {  	v34 =	vadd.s32 $0x2710, v17;
	s1 =	sshll.u32 s14, $0x2;
	v13 =	vld.idx.msk [tilespmem:v13+s4+$0x0], $0xffff  }
0x1bc: {  	v35 =	vadd.s32 $0x2710, v6;
	s1 =	sand.u32 $0x3FFFFE00, s1;
	v11 =	vld.idx.msk [tilespmem:v11+s4+$0x0], $0xffff  }
0x1bd: {  	s1 =	sadd.s32 $0x16480, s1;
	v22 =	vmul.f32 v26, v22;
	v18 =	vld.idx.msk [tilespmem:v18+s4+$0x0], $0xffff  }
0x1be: {  	s10 =	sor.u32 s16, s1;
	s16 =	sor.u32 s18, s1;
	s5 =	sor.u32 s22, s1;
	v26 =	vld.idx.msk [tilespmem:v1+s4+$0x0], $0xffff;
	v1 =	vmov v15  }
0x1bf: {  	s15 =	sor.u32 s17, s1;
	v12 =	vmul.f32 v12, v27;
	[tilespmem:s5+$0x0] =	vst v22;
	v15 =	vld.idx.msk [tilespmem:v0+s4+$0x0], $0xffff;
	v0 =	vmov v21  }
0x1c0: {  	v21 =	vld.idx.msk [tilespmem:v34+s4+$0x0], $0xffff  }
0x1c1: {  	v10 =	vmul.f32 v13, v10;
	[tilespmem:s10+$0x0] =	vst v12;
	v12 =	vld.idx.msk [tilespmem:v35+s4+$0x0], $0xffff  }
0x1c2: {  	v13 =	vld.idx.msk [tilespmem:v14+s4+$0x0], $0xffff  }
0x1c3: {  	v14 =	vld.idx.msk [tilespmem:v19+s4+$0x0], $0xffff;
	[tilespmem:s16+$0x0] =	vst v10;
	v10 =	vmul.f32 v18, v11  }
0x1c4: {  	v11 =	vld.idx.msk [tilespmem:v23+s4+$0x0], $0xffff  }
0x1c5: {  	v15 =	vmul.f32 v15, v26;
	v18 =	vld.idx.msk [tilespmem:v28+s4+$0x0], $0xffff;
	[tilespmem:s15+$0x0] =	vst v10;
	v10 =	vadd.s32 $0x4E20, v17  }
0x1c6: {  	v22 =	vadd.s32 $0x4E20, v6;
	v19 =	vld.idx.msk [tilespmem:v31+s4+$0x0], $0xffff  }
0x1c7: {  	v12 =	vmul.f32 v12, v21;
	v23 =	vld.idx.msk [tilespmem:v33+s4+$0x0], $0xffff;
	[tilespmem:s0+$0x180] =	vst v15;
	s0 =	smov.u32 s10  }
0x1c8: {  	v21 =	vld.idx.msk [tilespmem:v4+s4+$0x0], $0xffff;
	v4 =	vmov v25  }
0x1c9: {  	v13 =	vmul.f32 v14, v13;
	[tilespmem:s5+$0x80] =	vst v12;
	v12 =	vld.idx.msk [tilespmem:v3+s4+$0x0], $0xffff;
	v3 =	vmov v30  }
0x1ca: {  	v10 =	vld.idx.msk [tilespmem:v10+s4+$0x0], $0xffff  }
0x1cb: {  	v11 =	vmul.f32 v18, v11;
	[tilespmem:s0+$0x80] =	vst v13;
	v15 =	vld.idx.msk [tilespmem:v22+s4+$0x0], $0xffff  }
.Ltmp10:
0x1cc: {  	v13 =	vld.idx.msk [tilespmem:v16+s4+$0x0], $0xffff;
	(pc) =	sbr.rel @p2 .LBB2_15-.Ltmp10, $4  }
0x1cd: {  	v18 =	vmul.f32 v23, v19;
	v16 =	vld.idx.msk [tilespmem:v20+s4+$0x0], $0xffff;
	[tilespmem:s16+$0x80] =	vst v11  }
0x1ce: {  	v11 =	vld.idx.msk [tilespmem:v24+s4+$0x0], $0xffff  }
0x1cf: {  	v17 =	vadd.s32 $0x7530, v17;
	v14 =	vld.idx.msk [tilespmem:v29+s4+$0x0], $0xffff;
	[tilespmem:s15+$0x80] =	vst v18;
	v18 =	vmul.f32 v12, v21  }
0x1d0: {  	v6 =	vadd.s32 $0x7530, v6;
	v12 =	vld.idx.msk [tilespmem:v32+s4+$0x0], $0xffff  }
0x1d1: {  	_ =	sdelay $0x3  }
0x1d2: {  	v9 =	vld.idx.msk [tilespmem:v9+s4+$0x0], $0xffff;
	v10 =	vmul.f32 v15, v10  }
0x1d3: {  	v5 =	vld.idx.msk [tilespmem:v5+s4+$0x0], $0xffff  }
0x1d4: {  	v2 =	vld.idx.msk [tilespmem:v2+s4+$0x0], $0xffff;
	v13 =	vmul.f32 v16, v13;
	[tilespmem:s5+$0x100] =	vst v10  }
0x1d5: {  	v10 =	vld.idx.msk [tilespmem:v17+s4+$0x0], $0xffff  }
0x1d6: {  	[tilespmem:s0+$0x100] =	vst v13;
	v11 =	vmul.f32 v14, v11;
	v6 =	vld.idx.msk [tilespmem:v6+s4+$0x0], $0xffff  }
0x1d7: {  	v1 =	vld.idx.msk [tilespmem:v1+s4+$0x0], $0xffff  }
0x1d8: {  	v0 =	vld.idx.msk [tilespmem:v0+s4+$0x0], $0xffff;
	[tilespmem:s16+$0x100] =	vst v11;
	v9 =	vmul.f32 v9, v12  }
0x1d9: {  	v4 =	vld.idx.msk [tilespmem:v4+s4+$0x0], $0xffff  }
0x1da: {  	v3 =	vld.idx.msk [tilespmem:v3+s4+$0x0], $0xffff;
	[tilespmem:s15+$0x100] =	vst v9  }
0x1db: {  	v8 =	vld.idx.msk [tilespmem:v8+s4+$0x0], $0xffff  }
0x1dc: {  	v7 =	vld.idx.msk [tilespmem:v7+s4+$0x0], $0xffff  }
0x1dd: {  	v2 =	vmul.f32 v2, v5  }
0x1de: {  	[tilespmem:s8+$0x180] =	vst v18;
	v61 =	vmul.f32 v6, v10  }
0x1df: {  	[tilespmem:s13+$0x180] =	vst v2;
	v0 =	vmul.f32 v0, v1  }
.Ltmp11:
0x1e0: {  	[tilespmem:s5+$0x180] =	vst v61;
	v62 =	vmul.f32 v3, v4;
	(pc) =	sbr.rel @p1 .LBB2_18-.Ltmp11, $4  }
0x1e1: {  	s29 =	sadd.s32 s11, s7;
	[tilespmem:s0+$0x180] =	vst v0;
	v63 =	vmul.f32 v7, v8  }
0x1e2: {  	s0 =	sshrl.u32 s29, $0x3;
	[tilespmem:s16+$0x180] =	vst v62  }
0x1e3: {  	s1 =	simm.s32 $0x16480;
	s0 =	sadd.s32 s3, s0;
	[tilespmem:s15+$0x180] =	vst v63  }
0x1e4: {  	[hbm4b:s0+s20] =	stream.strided.scatter [tilespmem:s1], [sflag:$0x7], $0x3200, s21, s20, $0x38;
	[tilespmem:$0x1C880] =	vst v63  }
.Ltmp12:
0x1e5: {  	(pc) =	sbr.rel .LBB2_19-.Ltmp12, $4  }
0x1e6: {  	_ = 	snop  }
0x1e7: {  	_ =	swait.ge [sflag:s30], $0x1900  }
0x1e8: {  	[sflag:s30] =	ssyncset.done $0x0  }
0x1e9: {  	[sflag:s30] =	ssyncadd.s32 $0xFFFFE700  }
.LBB2_18:
0x1ea: {  	s0 =	smul.u32 $0x6400, s6;
	_ =	sdelay $0x1  }
0x1eb: {  	s0 =	sshrl.u32 s0, $0x3  }
0x1ec: {  	s0 =	sadd.s32 s2, s0  }
.Ltmp13:
0x1ed: {  	s1 =	simm.s32 $0xCE80;
	s0 =	sadd.s32 $0x12C0, s0;
	(pc) =	sbr.rel @p0 .LBB2_20-.Ltmp13, $4  }
0x1ee: {  	[tilespmem:s1], [sflag:$0x3] =	stream.linear.gather [hbm4b:s0+s4], $0x1900, $0x38;
	[tilespmem:$0x1C880] =	vst v63  }
0x1ef: {  	_ =	swait.ge [sflag:s30], $0x1900  }
0x1f0: {  	[sflag:s30] =	ssyncset.done $0x0  }
0x1f1: {  	[sflag:s30] =	ssyncadd.s32 $0xFFFFE700  }
.LBB2_19:
0x1f2: {  	_ =	swait.ge [sflag:s31], $0x3200  }
0x1f3: {  	[sflag:s31] =	ssyncset.done $0x0  }
0x1f4: {  	[sflag:s31] =	ssyncadd.s32 $0xFFFFCE00  }
.LBB2_20:
0x1f5: {  	s0 =	simm.s32 $0x0;
	s1 =	simm.s32 $0x0  }
0x1f6: {  	s0 =	sand.u32 $0x40, s0;
	s1 =	sand.u32 $0x3FFFFF00, s1  }
0x1f7: {  	s1 =	sadd.s32 $0xE780, s1;
	s5 =	sor.u32 $0x30, s0  }
0x1f8: {  	s29 =	sor.u32 $0x10, s0;
	s14 =	sor.u32 $0x20, s0;
	s8 =	sor.u32 s5, s1  }
0x1f9: {  	s10 =	sor.u32 s0, s1;
	s13 =	sor.u32 s29, s1;
	s1 =	sor.u32 s14, s1;
	v4 =	vld [tilespmem:s8+$0x0]  }
0x1fa: {  	s15 =	simm.s32 $0x0;
	v0 =	vld [tilespmem:s1+$0x0]  }
0x1fb: {  	v1 =	vld [tilespmem:s1+$0x80];
	s1 =	sand.u32 $0x3FFFFE00, s15  }
0x1fc: {  	v5 =	vld [tilespmem:s8+$0x80];
	s1 =	sadd.s32 $0x19680, s1  }
0x1fd: {  	s16 =	simm.s32 $0x80;
	v3 =	vld [tilespmem:s13+$0x0];
	s18 =	sor.u32 s5, s1  }
0x1fe: {  	v2 =	vld [tilespmem:s13+$0x80];
	s17 =	sor.u32 s0, s1;
	s13 =	sor.u32 s14, s1;
	s14 =	simm.s32 $0x40  }
0x1ff: {  	v6 =	vld [tilespmem:s10+$0x0];
	s8 =	sor.u32 s29, s1;
	s0 =	sand.u32 $0x3FFFFF00, s16;
	s1 =	sand.u32 $0x40, s14  }
0x200: {  	v7 =	vld [tilespmem:s10+$0x80];
	s0 =	sadd.s32 $0xE780, s0;
	s10 =	sor.u32 $0x10, s1  }
0x201: {  	s16 =	sor.u32 s10, s0  }
0x202: {  	s5 =	sor.u32 $0x30, s1;
	s25 =	sor.u32 $0x20, s1;
	v20 =	vld [tilespmem:s16+$0x0]  }
0x203: {  	s15 =	sor.u32 s1, s0;
	s22 =	sor.u32 s5, s0;
	s0 =	sor.u32 s25, s0;
	v21 =	vld [tilespmem:s16+$0x80]  }
0x204: {  	v22 =	vld [tilespmem:s0+$0x0]  }
0x205: {  	v8 =	vld.idx.msk [tilespmem:v4+s4+$0x0], $0xffff  }
0x206: {  	v9 =	vld.idx.msk [tilespmem:v5+s4+$0x0], $0xffff  }
0x207: {  	v23 =	vld [tilespmem:s0+$0x80]  }
0x208: {  	v10 =	vld.idx.msk [tilespmem:v6+s4+$0x0], $0xffff  }
0x209: {  	v12 =	vadd.s32 $0x2710, v4;
	v11 =	vld.idx.msk [tilespmem:v7+s4+$0x0], $0xffff  }
0x20a: {  	v14 =	vadd.s32 $0x2710, v5;
	v13 =	vld.idx.msk [tilespmem:v3+s4+$0x0], $0xffff  }
0x20b: {  	v15 =	vld.idx.msk [tilespmem:v2+s4+$0x0], $0xffff;
	v8 =	vmul.f32 v9, v8  }
0x20c: {  	v17 =	vadd.s32 $0x2710, v7;
	v16 =	vld.idx.msk [tilespmem:v0+s4+$0x0], $0xffff  }
0x20d: {  	v18 =	vld.idx.msk [tilespmem:v1+s4+$0x0], $0xffff;
	v9 =	vadd.s32 $0x2710, v6;
	[tilespmem:s18+$0x0] =	vst v8  }
0x20e: {  	v10 =	vmul.f32 v11, v10;
	v8 =	vadd.s32 $0x2710, v3;
	v11 =	vld.idx.msk [tilespmem:v12+s4+$0x0], $0xffff  }
0x20f: {  	v12 =	vadd.s32 $0x2710, v2;
	v14 =	vld.idx.msk [tilespmem:v14+s4+$0x0], $0xffff  }
0x210: {  	v26 =	vld.idx.msk [tilespmem:v20+s4+$0x0], $0xffff;
	[tilespmem:s17+$0x0] =	vst v10;
	v10 =	vmul.f32 v15, v13;
	v13 =	vadd.s32 $0x2710, v1  }
0x211: {  	v19 =	vadd.s32 $0x2710, v0;
	v15 =	vld.idx.msk [tilespmem:v17+s4+$0x0], $0xffff  }
0x212: {  	[tilespmem:s8+$0x0] =	vst v10;
	v10 =	vmul.f32 v18, v16;
	v16 =	vadd.s32 $0x4E20, v4;
	v9 =	vld.idx.msk [tilespmem:v9+s4+$0x0], $0xffff  }
0x213: {  	v17 =	vadd.s32 $0x4E20, v5;
	v8 =	vld.idx.msk [tilespmem:v8+s4+$0x0], $0xffff  }
0x214: {  	[tilespmem:s13+$0x0] =	vst v10;
	v12 =	vld.idx.msk [tilespmem:v12+s4+$0x0], $0xffff;
	v10 =	vmul.f32 v14, v11  }
0x215: {  	v13 =	vld.idx.msk [tilespmem:v13+s4+$0x0], $0xffff  }
0x216: {  	v18 =	vadd.s32 $0x4E20, v7;
	v14 =	vld.idx.msk [tilespmem:v19+s4+$0x0], $0xffff;
	[tilespmem:s18+$0x80] =	vst v10  }
0x217: {  	v9 =	vmul.f32 v15, v9;
	v15 =	vld.idx.msk [tilespmem:v16+s4+$0x0], $0xffff  }
0x218: {  	v17 =	vld.idx.msk [tilespmem:v17+s4+$0x0], $0xffff  }
0x219: {  	v28 =	vld.idx.msk [tilespmem:v22+s4+$0x0], $0xffff;
	v19 =	vadd.s32 $0x4E20, v0;
	v8 =	vmul.f32 v12, v8  }
0x21a: {  	v30 =	vld.idx.msk [tilespmem:v23+s4+$0x0], $0xffff;
	[tilespmem:s17+$0x80] =	vst v9  }
0x21b: {  	v16 =	vadd.s32 $0x4E20, v2;
	v12 =	vld.idx.msk [tilespmem:v18+s4+$0x0], $0xffff;
	[tilespmem:s8+$0x80] =	vst v8;
	v8 =	vmul.f32 v13, v14  }
0x21c: {  	v18 =	vld [tilespmem:s15+$0x80]  }
0x21d: {  	v11 =	vadd.s32 $0x4E20, v6;
	[tilespmem:s13+$0x80] =	vst v8;
	v8 =	vmul.f32 v17, v15;
	v17 =	vld [tilespmem:s22+$0x0]  }
0x21e: {  	v10 =	vadd.s32 $0x4E20, v3;
	v14 =	vld.idx.msk [tilespmem:v19+s4+$0x0], $0xffff  }
0x21f: {  	v9 =	vadd.s32 $0x4E20, v1;
	v19 =	vld [tilespmem:s22+$0x80]  }
0x220: {  	v5 =	vadd.s32 $0x7530, v5;
	v13 =	vld.idx.msk [tilespmem:v16+s4+$0x0], $0xffff  }
0x221: {  	v16 =	vld [tilespmem:s15+$0x0]  }
0x222: {  	v11 =	vld.idx.msk [tilespmem:v11+s4+$0x0], $0xffff  }
0x223: {  	v10 =	vld.idx.msk [tilespmem:v10+s4+$0x0], $0xffff  }
0x224: {  	v9 =	vld.idx.msk [tilespmem:v9+s4+$0x0], $0xffff;
	[tilespmem:s18+$0x100] =	vst v8  }
0x225: {  	v8 =	vld.idx.msk [tilespmem:v5+s4+$0x0], $0xffff  }
0x226: {  	v4 =	vadd.s32 $0x7530, v4;
	v5 =	vld.idx.msk [tilespmem:v17+s4+$0x0], $0xffff  }
0x227: {  	v6 =	vadd.s32 $0x7530, v6;
	v15 =	vld.idx.msk [tilespmem:v19+s4+$0x0], $0xffff  }
0x228: {  	v7 =	vadd.s32 $0x7530, v7;
	v25 =	vld.idx.msk [tilespmem:v18+s4+$0x0], $0xffff  }
0x229: {  	v3 =	vadd.s32 $0x7530, v3;
	v11 =	vmul.f32 v12, v11;
	v24 =	vld.idx.msk [tilespmem:v16+s4+$0x0], $0xffff  }
0x22a: {  	s29 =	simm.s32 $0x100;
	v12 =	vld.idx.msk [tilespmem:v21+s4+$0x0], $0xffff;
	v27 =	vadd.s32 $0x2710, v17  }
0x22b: {  	s0 =	sand.u32 $0x3FFFFE00, s29;
	v4 =	vld.idx.msk [tilespmem:v4+s4+$0x0], $0xffff;
	[tilespmem:s17+$0x100] =	vst v11;
	v10 =	vmul.f32 v13, v10;
	v29 =	vadd.s32 $0x2710, v19  }
0x22c: {  	s22 =	sadd.s32 $0x19680, s0;
	v11 =	vadd.s32 $0x2710, v16;
	v6 =	vld.idx.msk [tilespmem:v6+s4+$0x0], $0xffff;
	v5 =	vmul.f32 v15, v5  }
0x22d: {  	s5 =	sor.u32 s5, s22;
	v7 =	vld.idx.msk [tilespmem:v7+s4+$0x0], $0xffff;
	[tilespmem:s8+$0x100] =	vst v10;
	v15 =	vadd.s32 $0x2710, v18  }
0x22e: {  	v31 =	vadd.s32 $0x2710, v20;
	v61 =	vld.idx.msk [tilespmem:v3+s4+$0x0], $0xffff;
	v24 =	vmul.f32 v25, v24;
	[tilespmem:s5+$0x0] =	vst v5  }
0x22f: {  	s0 =	sor.u32 s1, s22;
	v12 =	vmul.f32 v12, v26;
	v5 =	vadd.s32 $0x2710, v21;
	v54 =	vld.idx.msk [tilespmem:v27+s4+$0x0], $0xffff  }
0x230: {  	v57 =	vadd.s32 $0x2710, v23;
	s16 =	sor.u32 s10, s22;
	[tilespmem:s0+$0x0] =	vst v24;
	v56 =	vld.idx.msk [tilespmem:v29+s4+$0x0], $0xffff  }
0x231: {  	v55 =	vadd.s32 $0x2710, v22;
	[tilespmem:s16+$0x0] =	vst v12;
	v12 =	vmul.f32 v30, v28;
	v11 =	vld.idx.msk [tilespmem:v11+s4+$0x0], $0xffff  }
0x232: {  	v2 =	vadd.s32 $0x7530, v2;
	s15 =	sor.u32 s25, s22;
	v15 =	vld.idx.msk [tilespmem:v15+s4+$0x0], $0xffff  }
0x233: {  	v58 =	vld.idx.msk [tilespmem:v31+s4+$0x0], $0xffff;
	[tilespmem:s15+$0x0] =	vst v12;
	v12 =	vadd.s32 $0x4E20, v17  }
0x234: {  	v13 =	vadd.s32 $0x4E20, v19;
	v5 =	vld.idx.msk [tilespmem:v5+s4+$0x0], $0xffff  }
0x235: {  	v59 =	vadd.s32 $0x4E20, v16;
	v26 =	vld.idx.msk [tilespmem:v57+s4+$0x0], $0xffff;
	v10 =	vmul.f32 v56, v54  }
0x236: {  	v60 =	vadd.s32 $0x4E20, v18;
	v27 =	vld.idx.msk [tilespmem:v55+s4+$0x0], $0xffff  }
0x237: {  	v62 =	vadd.s32 $0x4E20, v20;
	v63 =	vld.idx.msk [tilespmem:v2+s4+$0x0], $0xffff;
	v3 =	vmul.f32 v15, v11;
	[tilespmem:s5+$0x80] =	vst v10  }
0x238: {  	v9 =	vmul.f32 v9, v14;
	v14 =	vadd.s32 $0x4E20, v21;
	v10 =	vld.idx.msk [tilespmem:v12+s4+$0x0], $0xffff  }
0x239: {  	v2 =	vadd.s32 $0x7530, v1;
	v12 =	vadd.s32 $0x4E20, v22;
	v15 =	vld.idx.msk [tilespmem:v13+s4+$0x0], $0xffff;
	[tilespmem:s0+$0x80] =	vst v3;
	v3 =	vmul.f32 v5, v58  }
0x23a: {  	v1 =	vadd.s32 $0x7530, v16;
	[tilespmem:s13+$0x100] =	vst v9;
	v4 =	vmul.f32 v8, v4;
	v9 =	vadd.s32 $0x4E20, v23;
	v13 =	vld.idx.msk [tilespmem:v59+s4+$0x0], $0xffff  }
0x23b: {  	v5 =	vadd.s32 $0x7530, v0;
	v0 =	vadd.s32 $0x7530, v18;
	v18 =	vmul.f32 v26, v27;
	v16 =	vld.idx.msk [tilespmem:v60+s4+$0x0], $0xffff;
	[tilespmem:s16+$0x80] =	vst v3  }
0x23c: {  	v8 =	vadd.s32 $0x7530, v22;
	v6 =	vmul.f32 v7, v6;
	[tilespmem:s18+$0x180] =	vst v4;
	v11 =	vld.idx.msk [tilespmem:v62+s4+$0x0], $0xffff  }
0x23d: {  	v7 =	vadd.s32 $0x7530, v23;
	v17 =	vadd.s32 $0x7530, v17;
	[tilespmem:s15+$0x80] =	vst v18;
	v18 =	vmul.f32 v63, v61;
	v14 =	vld.idx.msk [tilespmem:v14+s4+$0x0], $0xffff  }
0x23e: {  	v4 =	vadd.s32 $0x7530, v20;
	[tilespmem:s17+$0x180] =	vst v6;
	v6 =	vadd.s32 $0x7530, v19;
	v3 =	vadd.s32 $0x7530, v21;
	v12 =	vld.idx.msk [tilespmem:v12+s4+$0x0], $0xffff  }
.LBB2_21:
0x23f: {  	s14 =	sadd.s32 $0x40, s14;
	v9 =	vld.idx.msk [tilespmem:v9+s4+$0x0], $0xffff;
	v10 =	vmul.f32 v15, v10;
	[tilespmem:s8+$0x180] =	vst v18;
	s8 =	smov.u32 s16  }
0x240: {  	s1 =	sshll.u32 s14, $0x1;
	v15 =	vld.idx.msk [tilespmem:v5+s4+$0x0], $0xffff;
	v5 =	vmov v8  }
0x241: {  	s16 =	sand.u32 $0x40, s14;
	v8 =	vmul.f32 v16, v13;
	s1 =	sand.u32 $0x3FFFFF00, s1;
	[tilespmem:s5+$0x100] =	vst v10;
	v10 =	vld.idx.msk [tilespmem:v2+s4+$0x0], $0xffff;
	v2 =	vmov v7  }
0x242: {  	s18 =	sor.u32 $0x10, s16;
	s22 =	sor.u32 $0x30, s16;
	s1 =	sadd.s32 $0xE780, s1;
	v7 =	vld.idx.msk [tilespmem:v17+s4+$0x0], $0xffff  }
0x243: {  	s17 =	sor.u32 $0x20, s16;
	s10 =	sor.u32 s16, s1;
	s25 =	sor.u32 s22, s1;
	[tilespmem:s0+$0x100] =	vst v8;
	v8 =	vmul.f32 v14, v11;
	v11 =	vld.idx.msk [tilespmem:v6+s4+$0x0], $0xffff  }
0x244: {  	p0 =	slt.u32 s14, $0xC40;
	s29 =	sor.u32 s18, s1;
	s1 =	sor.u32 s17, s1;
	v17 =	vld [tilespmem:s25+$0x0]  }
0x245: {  	v6 =	vld [tilespmem:s25+$0x80];
	[tilespmem:s8+$0x100] =	vst v8;
	v8 =	vmul.f32 v9, v12  }
0x246: {  	v9 =	vld [tilespmem:s10+$0x0]  }
0x247: {  	v12 =	vld [tilespmem:s10+$0x80];
	[tilespmem:s15+$0x100] =	vst v8;
	v8 =	vmul.f32 v10, v15  }
0x248: {  	v10 =	vld [tilespmem:s29+$0x0]  }
0x249: {  	v7 =	vmul.f32 v11, v7;
	v13 =	vld [tilespmem:s29+$0x80];
	[tilespmem:s13+$0x180] =	vst v8;
	s13 =	smov.u32 s15  }
0x24a: {  	v11 =	vld [tilespmem:s1+$0x0]  }
0x24b: {  	v14 =	vadd.s32 $0x2710, v9;
	v16 =	vadd.s32 $0x4E20, v9;
	v15 =	vadd.s32 $0x7530, v9;
	v18 =	vld [tilespmem:s1+$0x80];
	[tilespmem:s5+$0x180] =	vst v7  }
0x24c: {  	v19 =	vadd.s32 $0x2710, v12;
	v20 =	vadd.s32 $0x4E20, v12;
	v21 =	vadd.s32 $0x7530, v12;
	v22 =	vld.idx.msk [tilespmem:v17+s4+$0x0], $0xffff  }
0x24d: {  	v23 =	vadd.s32 $0x2710, v10;
	v24 =	vadd.s32 $0x4E20, v10;
	v25 =	vadd.s32 $0x7530, v10;
	v26 =	vld.idx.msk [tilespmem:v6+s4+$0x0], $0xffff  }
0x24e: {  	v27 =	vld.idx.msk [tilespmem:v9+s4+$0x0], $0xffff;
	v28 =	vadd.s32 $0x2710, v13;
	v29 =	vadd.s32 $0x4E20, v13;
	v30 =	vadd.s32 $0x7530, v13  }
0x24f: {  	v12 =	vld.idx.msk [tilespmem:v12+s4+$0x0], $0xffff;
	v31 =	vadd.s32 $0x2710, v11;
	v32 =	vadd.s32 $0x4E20, v11;
	v8 =	vadd.s32 $0x7530, v11  }
0x250: {  	v10 =	vld.idx.msk [tilespmem:v10+s4+$0x0], $0xffff;
	v33 =	vadd.s32 $0x2710, v18;
	v9 =	vadd.s32 $0x4E20, v18;
	v7 =	vadd.s32 $0x7530, v18  }
0x251: {  	v34 =	vadd.s32 $0x2710, v17;
	s1 =	sshll.u32 s14, $0x2;
	v13 =	vld.idx.msk [tilespmem:v13+s4+$0x0], $0xffff  }
0x252: {  	v35 =	vadd.s32 $0x2710, v6;
	s1 =	sand.u32 $0x3FFFFE00, s1;
	v11 =	vld.idx.msk [tilespmem:v11+s4+$0x0], $0xffff  }
0x253: {  	s1 =	sadd.s32 $0x19680, s1;
	v22 =	vmul.f32 v26, v22;
	v18 =	vld.idx.msk [tilespmem:v18+s4+$0x0], $0xffff  }
0x254: {  	s10 =	sor.u32 s16, s1;
	s16 =	sor.u32 s18, s1;
	s5 =	sor.u32 s22, s1;
	v26 =	vld.idx.msk [tilespmem:v1+s4+$0x0], $0xffff;
	v1 =	vmov v15  }
0x255: {  	s15 =	sor.u32 s17, s1;
	v12 =	vmul.f32 v12, v27;
	[tilespmem:s5+$0x0] =	vst v22;
	v15 =	vld.idx.msk [tilespmem:v0+s4+$0x0], $0xffff;
	v0 =	vmov v21  }
0x256: {  	v21 =	vld.idx.msk [tilespmem:v34+s4+$0x0], $0xffff  }
0x257: {  	v10 =	vmul.f32 v13, v10;
	[tilespmem:s10+$0x0] =	vst v12;
	v12 =	vld.idx.msk [tilespmem:v35+s4+$0x0], $0xffff  }
0x258: {  	v13 =	vld.idx.msk [tilespmem:v14+s4+$0x0], $0xffff  }
0x259: {  	v14 =	vld.idx.msk [tilespmem:v19+s4+$0x0], $0xffff;
	[tilespmem:s16+$0x0] =	vst v10;
	v10 =	vmul.f32 v18, v11  }
0x25a: {  	v11 =	vld.idx.msk [tilespmem:v23+s4+$0x0], $0xffff  }
0x25b: {  	v15 =	vmul.f32 v15, v26;
	v18 =	vld.idx.msk [tilespmem:v28+s4+$0x0], $0xffff;
	[tilespmem:s15+$0x0] =	vst v10;
	v10 =	vadd.s32 $0x4E20, v17  }
0x25c: {  	v22 =	vadd.s32 $0x4E20, v6;
	v19 =	vld.idx.msk [tilespmem:v31+s4+$0x0], $0xffff  }
0x25d: {  	v12 =	vmul.f32 v12, v21;
	v23 =	vld.idx.msk [tilespmem:v33+s4+$0x0], $0xffff;
	[tilespmem:s0+$0x180] =	vst v15;
	s0 =	smov.u32 s10  }
0x25e: {  	v21 =	vld.idx.msk [tilespmem:v4+s4+$0x0], $0xffff;
	v4 =	vmov v25  }
0x25f: {  	v13 =	vmul.f32 v14, v13;
	[tilespmem:s5+$0x80] =	vst v12;
	v12 =	vld.idx.msk [tilespmem:v3+s4+$0x0], $0xffff;
	v3 =	vmov v30  }
0x260: {  	v10 =	vld.idx.msk [tilespmem:v10+s4+$0x0], $0xffff  }
0x261: {  	v11 =	vmul.f32 v18, v11;
	[tilespmem:s0+$0x80] =	vst v13;
	v15 =	vld.idx.msk [tilespmem:v22+s4+$0x0], $0xffff  }
.Ltmp14:
0x262: {  	v13 =	vld.idx.msk [tilespmem:v16+s4+$0x0], $0xffff;
	(pc) =	sbr.rel @p0 .LBB2_21-.Ltmp14, $4  }
0x263: {  	v18 =	vmul.f32 v23, v19;
	v16 =	vld.idx.msk [tilespmem:v20+s4+$0x0], $0xffff;
	[tilespmem:s16+$0x80] =	vst v11  }
0x264: {  	v11 =	vld.idx.msk [tilespmem:v24+s4+$0x0], $0xffff  }
0x265: {  	v17 =	vadd.s32 $0x7530, v17;
	v14 =	vld.idx.msk [tilespmem:v29+s4+$0x0], $0xffff;
	[tilespmem:s15+$0x80] =	vst v18;
	v18 =	vmul.f32 v12, v21  }
0x266: {  	v6 =	vadd.s32 $0x7530, v6;
	v12 =	vld.idx.msk [tilespmem:v32+s4+$0x0], $0xffff  }
0x267: {  	_ =	sdelay $0x3  }
0x268: {  	v9 =	vld.idx.msk [tilespmem:v9+s4+$0x0], $0xffff;
	v10 =	vmul.f32 v15, v10  }
0x269: {  	v5 =	vld.idx.msk [tilespmem:v5+s4+$0x0], $0xffff  }
0x26a: {  	v2 =	vld.idx.msk [tilespmem:v2+s4+$0x0], $0xffff;
	v13 =	vmul.f32 v16, v13;
	[tilespmem:s5+$0x100] =	vst v10  }
0x26b: {  	v10 =	vld.idx.msk [tilespmem:v17+s4+$0x0], $0xffff  }
0x26c: {  	[tilespmem:s0+$0x100] =	vst v13;
	v11 =	vmul.f32 v14, v11;
	v6 =	vld.idx.msk [tilespmem:v6+s4+$0x0], $0xffff  }
0x26d: {  	v1 =	vld.idx.msk [tilespmem:v1+s4+$0x0], $0xffff  }
0x26e: {  	v0 =	vld.idx.msk [tilespmem:v0+s4+$0x0], $0xffff;
	[tilespmem:s16+$0x100] =	vst v11;
	v9 =	vmul.f32 v9, v12  }
0x26f: {  	v4 =	vld.idx.msk [tilespmem:v4+s4+$0x0], $0xffff  }
0x270: {  	v3 =	vld.idx.msk [tilespmem:v3+s4+$0x0], $0xffff;
	[tilespmem:s15+$0x100] =	vst v9  }
0x271: {  	v8 =	vld.idx.msk [tilespmem:v8+s4+$0x0], $0xffff  }
0x272: {  	v7 =	vld.idx.msk [tilespmem:v7+s4+$0x0], $0xffff  }
0x273: {  	v2 =	vmul.f32 v2, v5  }
0x274: {  	[tilespmem:s8+$0x180] =	vst v18;
	v61 =	vmul.f32 v6, v10  }
0x275: {  	p0 =	seq.s32 s6, $0x18;
	[tilespmem:s13+$0x180] =	vst v2;
	v0 =	vmul.f32 v0, v1  }
.Ltmp15:
0x276: {  	[tilespmem:s5+$0x180] =	vst v61;
	v62 =	vmul.f32 v3, v4;
	(pc) =	sbr.rel @p0 .LBB2_24-.Ltmp15, $4  }
0x277: {  	s29 =	sadd.s32 s12, s7;
	[tilespmem:s0+$0x180] =	vst v0;
	v63 =	vmul.f32 v7, v8  }
0x278: {  	s0 =	sshrl.u32 s29, $0x3;
	[tilespmem:s16+$0x180] =	vst v62  }
0x279: {  	s1 =	simm.s32 $0x19680;
	s0 =	sadd.s32 s3, s0;
	[tilespmem:s15+$0x180] =	vst v63  }
0x27a: {  	[hbm4b:s0+s20] =	stream.strided.scatter [tilespmem:s1], [sflag:$0x8], $0x3200, s21, s20, $0x38;
	[tilespmem:$0x1C880] =	vst v63  }
0x27b: {  	s0 =	smul.u32 $0x6400, s6  }
.Ltmp16:
0x27c: {  	_ = 	snop;
	(pc) =	sbr.rel .LBB2_2-.Ltmp16, $4  }
0x27d: {  	s0 =	sshrl.u32 s0, $0x3  }
0x27e: {  	s0 =	sadd.s32 s2, s0  }
0x27f: {  	s1 =	simm.s32 $0xE780;
	s6 =	sadd.s32 $0x1, s6;
	s0 =	sadd.s32 $0x15E0, s0  }
0x280: {  	[tilespmem:s1], [sflag:$0x4] =	stream.linear.gather [hbm4b:s0+s4], $0x1900, $0x38;
	[tilespmem:$0x1C880] =	vst v63  }
.LBB2_25:
0x281: {  	_ =	sfence.sel $0x180000  }
0x282: {  	[bflag:$0x0] =	sbarrier.arrive $0xFFFF  }
0x283: {  	_ =	strace $0x90000047  }
0x284: {  	s0 =	stileid.u32;
	[bflag:$0x2] =	sbarrier.arrive $0xFFFF  }
0x285: {  	p0 =	sne.s32 s0, $0x0;
	s0 =	rddreg [dreg:$0x3]  }
0x286: {  	s0 =	sadd.s32 @!p0 $0x100000, s0  }
0x287: {  	[sflag:s0] =	ssyncadd.tile.s32 @!p0 $0x1;
	_ =	shalt  }
.Lfunc_end2:
_tile_overlayer_lowered:
.L_overlay_start_2:
0x288: {  	(tag) =	ssettag $0x2  }
0x289: {  	s0 =	rddreg [dreg:$0x0];
	s2 =	stileid.u32  }
0x28a: {  	s1 =	rddreg [dreg:$0x1];
	p0 =	sne.s32 s2, $0x0  }
0x28b: {  	s3 =	rddreg [dreg:$0x2];
	[bflag:$0x3] =	sbarrier.arrive $0xFFFF;
	s2 =	simm.s32 @!p0 $0x1C09  }
0x28c: {  	[timem:s3], [sflag:s2] =	dma.local @!p0 [hbm:s0], s1  }
0x28d: {  	s0 =	simm.s32 @!p0 $0x9  }
0x28e: {  	_ =	swait.ge @!p0 [sflag:s0], s1  }
0x28f: {  	s1 =	ssub.s32 @!p0 $0x0, s1;
	[sflag:s0] =	ssyncset.done @!p0 $0x0  }
0x290: {  	[sflag:s0] =	ssyncadd.s32 @!p0 s1  }
0x291: {  	[bflag:$0x3] =	sbarrier.arrive $0xFFFF  }
0x292: {  	_ =	shalt  }

</sc_bundles>
